<compile_context>
chip_gen: v7x
topology: tpu7x:2x2x1
jax: 0.10.2.dev20260603
libtpu: 0.0.44.dev20260713+nightly
codegen_flags: <defaults>
</compile_context>

<pallas_src>
import functools
import jax
import jax.numpy as jnp
from jax import lax
from jax.experimental import pallas as pl
from jax.experimental.pallas import tpu as pltpu
from jax.experimental.pallas import tpu_sc as plsc

B, N, F, R, K = 32, 32768, 128, 1024, 128
CH = 8192
NB = N // CH
NV = N // 8
NCH = N // 16


def _scorer_body(h_ref, w_ref, b_ref, out_ref):
    s = jnp.tanh(
        jnp.dot(
            h_ref[...].astype(jnp.bfloat16),
            w_ref[...].astype(jnp.bfloat16),
            preferred_element_type=jnp.float32,
        )
        + b_ref[...][None, :]
    )
    out_ref[...] = s


def _scores_body(emb_ref, sc_ref, out_ref):
    blk = emb_ref[0]
    s = sc_ref[0, 0]
    inv = lax.rsqrt(jnp.sum(s * s))
    s8 = jnp.broadcast_to(s.astype(jnp.bfloat16)[None, :], (8, F))
    r = lax.dot_general(
        s8,
        blk.astype(jnp.bfloat16),
        (((1,), (1,)), ((), ())),
        preferred_element_type=jnp.float32,
    )
    out_ref[0] = jnp.reshape(r[0], (CH // 128, 128)) * inv


def _compute_scores(node_embs, h_t, W, b):
    scorer = pl.pallas_call(
        _scorer_body,
        out_shape=jax.ShapeDtypeStruct((B, F), jnp.float32),
    )(h_t, W, b)

    scores = pl.pallas_call(
        _scores_body,
        grid=(B, NB),
        in_specs=[
            pl.BlockSpec((1, CH, F), lambda i, j: (i, j, 0)),
            pl.BlockSpec((1, 1, F), lambda i, j: (i, 0, 0)),
        ],
        out_specs=pl.BlockSpec((1, CH // 128, 128), lambda i, j: (i, j, 0)),
        out_shape=jax.ShapeDtypeStruct((B, N // 128, 128), jnp.float32),
        compiler_params=pltpu.CompilerParams(
            dimension_semantics=("parallel", "arbitrary")
        ),
    )(node_embs, scorer.reshape(B, 1, F))
    return scores


def _sc_topk(scores_flat, mask_flat, embs_flat):
    mesh = plsc.VectorSubcoreMesh(core_axis_name="c", subcore_axis_name="s")

    @functools.partial(
        pl.kernel,
        mesh=mesh,
        compiler_params=pltpu.CompilerParams(needs_layout_passes=False),
        out_type=[
            jax.ShapeDtypeStruct((B * N,), jnp.float32),
            jax.ShapeDtypeStruct((B * K,), jnp.float32),
            jax.ShapeDtypeStruct((B * K,), jnp.int32),
            jax.ShapeDtypeStruct((B * K, F), jnp.float32),
        ],
        scratch_types=[
            pltpu.VMEM((N,), jnp.float32),
            pltpu.VMEM((N,), jnp.float32),
            pltpu.VMEM((N,), jnp.int32),
            pltpu.VMEM((4096,), jnp.int32),
            pltpu.VMEM((K,), jnp.int32),
            pltpu.VMEM((K,), jnp.float32),
            pltpu.VMEM((K,), jnp.int32),
            pltpu.VMEM((K, F), jnp.float32),
            pltpu.SemaphoreType.DMA,
        ],
    )
    def k(scores_hbm, mask_hbm, embs_hbm, msc_hbm, vals_hbm, idx_hbm,
          rows_hbm, sc_v, mk_v, key_v, hist_v, idx_v, val_v, gidx_v,
          rows_v, sem):
        iota16 = lax.iota(jnp.int32, 16)
        ones16 = jnp.zeros((16,), jnp.int32) + 1
        zeros16 = jnp.zeros((16,), jnp.int32)
        wid = lax.axis_index("s") * 2 + lax.axis_index("c")
        pltpu.sync_copy(scores_hbm.at[pl.ds(wid * N, N)], sc_v)
        pltpu.sync_copy(mask_hbm.at[pl.ds(wid * N, N)], mk_v)

        def zero_hist():
            def zb(i, c):
                hist_v[pl.ds(pl.multiple_of(i * 16, 16), 16)] = zeros16
                return c
            lax.fori_loop(0, 256, zb, 0)

        zero_hist()

        def p0(i, c):
            off = pl.ds(pl.multiple_of(i * 16, 16), 16)
            sc = sc_v[off] + mk_v[off]
            sc_v[off] = sc
            y = lax.bitcast_convert_type(sc, jnp.int32)
            key = jnp.where(y >= 0, y, y ^ jnp.int32(0x7FFFFFFF))
            key_v[off] = key
            bucket = lax.shift_right_logical(key, 24) ^ 128
            plsc.addupdate_scatter(hist_v, [bucket * 16 + iota16], ones16)
            return c

        lax.fori_loop(0, NCH, p0, 0)

        pltpu.sync_copy(sc_v, msc_hbm.at[pl.ds(wid * N, N)])

        def scan_hist(rank_rem):
            def sb(t, carry):
                cum, bstar, above = carry
                bb = 255 - t
                tb = jnp.sum(hist_v[pl.ds(pl.multiple_of(bb * 16, 16), 16)])
                ncum = cum + tb
                hit = (cum < rank_rem) & (ncum >= rank_rem)
                bstar = jnp.where(hit, bb, bstar)
                above = jnp.where(hit, cum, above)
                return (ncum, bstar, above)
            _, bstar, above = lax.fori_loop(0, 256, sb, (0, 0, 0))
            return bstar, above

        b0, above0 = scan_hist(K)
        prefix = lax.shift_left(b0 ^ 128, 24)

        for v in range(K // 16):
            idx_v[pl.ds(v * 16, 16)] = zeros16

        def pc(i, carry):
            c_top, c_cand = carry
            off = pl.ds(pl.multiple_of(i * 16, 16), 16)
            key = key_v[off]
            bucket = lax.shift_right_logical(key, 24) ^ 128
            ind = i * 16 + iota16
            m_top = bucket > b0
            m_cand = bucket == b0
            t32 = m_top.astype(jnp.int32)
            pos_t = c_top + plsc.cumsum(t32) - 1
            plsc.store_scatter(idx_v, [pos_t], ind,
                               mask=m_top & (pos_t < K))
            c32 = m_cand.astype(jnp.int32)
            pos_c = c_cand + plsc.cumsum(c32) - 1
            plsc.store_scatter(sc_v, [pos_c],
                               lax.bitcast_convert_type(key, jnp.float32), mask=m_cand)
            plsc.store_scatter(mk_v, [pos_c],
                               lax.bitcast_convert_type(ind, jnp.float32), mask=m_cand)
            return (c_top + jnp.sum(t32), c_cand + jnp.sum(c32))

        _, n_cand = lax.fori_loop(0, NCH, pc, (0, 0))

        count_greater = above0

        for p in (1, 2, 3):
            shift = 24 - 8 * p
            himask = jnp.int32(-(1 << (shift + 8)))
            zero_hist()
            nit = (n_cand + 15) // 16

            def pr(i, c, himask=himask, shift=shift, prefix=prefix,
                   n_cand=n_cand):
                off = pl.ds(pl.multiple_of(i * 16, 16), 16)
                key = lax.bitcast_convert_type(sc_v[off], jnp.int32)
                valid = (i * 16 + iota16) < n_cand
                cand = ((key & himask) == prefix) & valid
                field = lax.shift_right_logical(key, shift) & 255
                plsc.addupdate_scatter(hist_v, [field * 16 + iota16],
                                       ones16, mask=cand)
                return c

            lax.fori_loop(0, nit, pr, 0)
            bp, abovep = scan_hist(K - count_greater)
            prefix = prefix | lax.shift_left(bp, shift)
            count_greater = count_greater + abovep

        T = prefix

        def pe(i, carry):
            c_gt, c_eq = carry
            off = pl.ds(pl.multiple_of(i * 16, 16), 16)
            key = lax.bitcast_convert_type(sc_v[off], jnp.int32)
            ind = lax.bitcast_convert_type(mk_v[off], jnp.int32)
            valid = (i * 16 + iota16) < n_cand
            m_gt = (key > T) & valid
            m_eq = (key == T) & valid
            g32 = m_gt.astype(jnp.int32)
            pos_g = c_gt + plsc.cumsum(g32) - 1
            plsc.store_scatter(idx_v, [pos_g], ind,
                               mask=m_gt & (pos_g < K))
            e32 = m_eq.astype(jnp.int32)
            pos_e = c_eq + plsc.cumsum(e32) - 1
            plsc.store_scatter(idx_v, [pos_e], ind,
                               mask=m_eq & (pos_e < K))
            return (c_gt + jnp.sum(g32), c_eq + jnp.sum(e32))

        nit2 = (n_cand + 15) // 16
        lax.fori_loop(0, nit2, pe, (above0, count_greater))

        for v in range(K // 16):
            off = pl.ds(v * 16, 16)
            iv = idx_v[off]
            kv = plsc.load_gather(key_v, [iv])
            y = jnp.where(kv >= 0, kv, kv ^ jnp.int32(0x7FFFFFFF))
            val_v[off] = lax.bitcast_convert_type(y, jnp.float32)
            g = iv + wid * N
            gidx_v[off] = jnp.clip(g, 0, B * N - 1)

        pltpu.async_copy(embs_hbm.at[gidx_v], rows_v, sem).wait()

        pltpu.sync_copy(val_v, vals_hbm.at[pl.ds(wid * K, K)])
        pltpu.sync_copy(idx_v, idx_hbm.at[pl.ds(wid * K, K)])
        pltpu.sync_copy(rows_v, rows_hbm.at[pl.ds(wid * K, K)])

    return k(scores_flat, mask_flat, embs_flat)


def _final_body(msc_ref, rows_ref, vals_ref, idx_ref, out_ref, pol_ref):
    i = pl.program_id(0)
    srow = msc_ref[0]
    m = jnp.max(srow)
    lse = m + jnp.log(jnp.sum(jnp.exp(srow - m)))

    v = vals_ref[pl.ds(i, 1), :]
    ix = idx_ref[pl.ds(i, 1), :]
    vc = v[0][:, None]
    ic = ix[0][:, None]
    gt = v > vc
    eq = (v == vc) & (ix < ic)
    rank = jnp.sum((gt | eq).astype(jnp.int32), axis=1, keepdims=True)
    onehot = (rank == lax.broadcasted_iota(jnp.int32, (1, K), 1)).astype(
        jnp.float32
    )
    gate = jnp.tanh(vc)
    s_scaled = rows_ref[0] * gate
    out_ref[0] = lax.dot_general(
        s_scaled,
        onehot,
        (((0,), (0,)), ((), ())),
        preferred_element_type=jnp.float32,
        precision=lax.Precision.HIGHEST,
    )
    pol = jnp.mean(v[0]) - lse
    pol_ref[pl.ds(i, 1), :] = jnp.full((1, 128), pol, jnp.float32)


def kernel(node_embs, mask, h_t, W, b):
    scores = _compute_scores(node_embs, h_t, W, b)
    msc, vals, idxs, rows = _sc_topk(
        scores.reshape(B * N),
        mask.reshape(B * N),
        node_embs.reshape(B * N, F),
    )
    out, pol = pl.pallas_call(
        _final_body,
        grid=(B,),
        in_specs=[
            pl.BlockSpec((1, 8, NV), lambda i: (i, 0, 0)),
            pl.BlockSpec((1, K, F), lambda i: (i, 0, 0)),
            pl.BlockSpec((B, K), lambda i: (0, 0)),
            pl.BlockSpec((B, K), lambda i: (0, 0)),
        ],
        out_specs=[
            pl.BlockSpec((1, F, K), lambda i: (i, 0, 0)),
            pl.BlockSpec((B, 128), lambda i: (0, 0)),
        ],
        out_shape=[
            jax.ShapeDtypeStruct((B, F, K), jnp.float32),
            jax.ShapeDtypeStruct((B, 128), jnp.float32),
        ],
    )(
        msc.reshape(B, 8, NV),
        rows.reshape(B, K, F),
        vals.reshape(B, K),
        idxs.reshape(B, K),
    )
    return out, pol[:, 0]

# --- scband reference (transcript-rebuilt; emitter-appended) ---
"""Pipeline reference for scband-top-k-with-h-970662609132 (READ-ONLY COPY).

The authoritative reference and input builder live on the scoring server;
editing this copy changes nothing except your own understanding.
"""

import jax, jax.numpy as jnp
import numpy as np

RNN_DIM = 1024
GCN_DIM = 128  # also k for top-k and feat_size
BATCH = 32
GRAPH = 32768

def setup_inputs(seed: int = 0) -> dict:
    key = jax.random.key(seed)
    k1, k2, k3 = jax.random.split(key, 3)
    node_embs = jax.random.normal(k1, (BATCH, GRAPH, GCN_DIM), dtype=jnp.float32)
    mask = jnp.zeros((BATCH, GRAPH), dtype=jnp.float32)
    h_t = jax.random.normal(k2, (BATCH, RNN_DIM), dtype=jnp.float32)
    W = jax.random.normal(k3, (RNN_DIM, GCN_DIM), dtype=jnp.float32) * (1.0 / np.sqrt(RNN_DIM))
    b = jnp.zeros((GCN_DIM,), dtype=jnp.float32)
    return {"node_embs": node_embs, "mask": mask, "h_t": h_t, "W": W, "b": b}

def reference(node_embs, mask, h_t, W, b):
    k = GCN_DIM
    # mapper: Linear(rnn_dim, gcn_dim) + Tanh
    scorer = jnp.tanh(h_t @ W + b)                          # [B, gcn_dim]
    # bmm(node_embs, scorer.unsqueeze(-1)).squeeze() / ||scorer||
    scores = jnp.einsum('bnf,bf->bn', node_embs, scorer)
    scores = scores / jnp.linalg.norm(scorer, axis=1, keepdims=True)
    scores = scores + mask                                  # [B, N]
    vals, topk_indices = jax.lax.top_k(scores, k)           # [B, k]
    # mask is all-finite so no -inf filtering / padding is needed
    gathered = jnp.take_along_axis(node_embs, topk_indices[:, :, None], axis=1)  # [B, k, F]
    gate = jnp.tanh(jnp.take_along_axis(scores, topk_indices, axis=1))           # [B, k]
    out = gathered * gate[:, :, None]                       # [B, k, F]
    probs = jax.nn.softmax(scores, axis=-1)
    c = jnp.log(probs)
    score = jnp.take_along_axis(c, topk_indices, axis=1)
    policy_score = jnp.mean(score, axis=1)                  # [B]
    return out.transpose(0, 2, 1), policy_score

if __name__ == "__main__":
    import jax
    _d = setup_inputs()
    print(jax.jit(kernel)(*tuple(_d.values())))

</pallas_src>

<mosaic_0001>
#map = affine_map<(d0, d1) -> (0)>
#map1 = affine_map<(d0, d1) -> (0, 0)>
module attributes {stable_mosaic.version = 14 : i64} {
  func.func @k(%arg0: i32, %arg1: i32, %arg2: memref<1048576xf32, #tpu.memory_space<hbm>>, %arg3: memref<1048576xf32, #tpu.memory_space<hbm>>, %arg4: memref<1048576x128xf32, #tpu.memory_space<hbm>>, %arg5: memref<1048576xf32, #tpu.memory_space<hbm>>, %arg6: memref<4096xf32, #tpu.memory_space<hbm>>, %arg7: memref<4096xi32, #tpu.memory_space<hbm>>, %arg8: memref<4096x128xf32, #tpu.memory_space<hbm>>, %arg9: memref<32768xf32, #tpu.memory_space<vmem>>, %arg10: memref<32768xf32, #tpu.memory_space<vmem>>, %arg11: memref<32768xi32, #tpu.memory_space<vmem>>, %arg12: memref<4096xi32, #tpu.memory_space<vmem>>, %arg13: memref<128xi32, #tpu.memory_space<vmem>>, %arg14: memref<128xf32, #tpu.memory_space<vmem>>, %arg15: memref<128xi32, #tpu.memory_space<vmem>>, %arg16: memref<128x128xf32, #tpu.memory_space<vmem>>, %arg17: memref<!tpu.dma_semaphore, #tpu.memory_space<semaphore_mem>>) attributes {dimension_semantics = [#tpu.dimension_semantics<core_parallel>, #tpu.dimension_semantics<subcore_parallel>], iteration_bounds = array<i64: 2, 16>, scalar_prefetch = 0 : i64, scratch_operands = 9 : i64, tpu.core_type = #tpu.core_type<sc_vector_subcore>, window_params = [{transform_indices = #map}, {transform_indices = #map}, {transform_indices = #map1}, {transform_indices = #map}, {transform_indices = #map}, {transform_indices = #map}, {transform_indices = #map1}]} {
    %iota3A = tpu.iota {dimensions = array<i32: 0>} : vector<16xi32>
    %broadcast_in_dim3A = arith.constant 0 : i32
    %broadcast_in_dim3A_0 = vector.broadcast %broadcast_in_dim3A : i32 to vector<16xi32>
    %add3A = arith.constant 1 : i32
    %add3A_1 = vector.broadcast %add3A : i32 to vector<16xi32>
    %add3A_2 = arith.addi %broadcast_in_dim3A_0, %add3A_1 : vector<16xi32>
    %broadcast_in_dim3A_3 = arith.constant 0 : i32
    %broadcast_in_dim3A_4 = vector.broadcast %broadcast_in_dim3A_3 : i32 to vector<16xi32>
    %mul3A = arith.constant 2 : i32
    %mul3A_5 = arith.muli %arg1, %mul3A : i32
    %add3A_6 = arith.addi %mul3A_5, %arg0 : i32
    %mul3A_7 = arith.constant 32768 : i32
    %mul3A_8 = arith.muli %add3A_6, %mul3A_7 : i32
    "tpu.region"() ({
      %run_scoped3A = tpu.sem_alloc : memref<!tpu.dma_semaphore, #tpu.memory_space<semaphore_mem>>
      %dma_start3A_463 = tpu.memref_slice %arg2[%mul3A_8] : memref<1048576xf32, #tpu.memory_space<hbm>> -> memref<32768xf32, #tpu.memory_space<hbm>>
      %dma_start3A_464 = tpu.memref_slice %arg2[%mul3A_8] : memref<1048576xf32, #tpu.memory_space<hbm>> -> memref<32768xf32, #tpu.memory_space<hbm>>
      tpu.enqueue_dma source(%dma_start3A_464 : memref<32768xf32, #tpu.memory_space<hbm>>) target(%arg9 : memref<32768xf32, #tpu.memory_space<vmem>>) target_semaphore(%run_scoped3A : memref<!tpu.dma_semaphore, #tpu.memory_space<semaphore_mem>>)
      %dma_wait3A_465 = tpu.memref_slice %arg2[%mul3A_8] : memref<1048576xf32, #tpu.memory_space<hbm>> -> memref<32768xf32, #tpu.memory_space<hbm>>
      %dma_wait3A_466 = tpu.memref_slice %arg2[%mul3A_8] : memref<1048576xf32, #tpu.memory_space<hbm>> -> memref<32768xf32, #tpu.memory_space<hbm>>
      tpu.wait_dma2 semaphore(%run_scoped3A : memref<!tpu.dma_semaphore, #tpu.memory_space<semaphore_mem>>) src(%dma_wait3A_466 : memref<32768xf32, #tpu.memory_space<hbm>>) dst(%arg9 : memref<32768xf32, #tpu.memory_space<vmem>>)
      tpu.yield
    }) : () -> ()
    %mul3A_9 = arith.constant 32768 : i32
    %mul3A_10 = arith.muli %add3A_6, %mul3A_9 : i32
    "tpu.region"() ({
      %run_scoped3A = tpu.sem_alloc : memref<!tpu.dma_semaphore, #tpu.memory_space<semaphore_mem>>
      %dma_start3A_463 = tpu.memref_slice %arg3[%mul3A_10] : memref<1048576xf32, #tpu.memory_space<hbm>> -> memref<32768xf32, #tpu.memory_space<hbm>>
      %dma_start3A_464 = tpu.memref_slice %arg3[%mul3A_10] : memref<1048576xf32, #tpu.memory_space<hbm>> -> memref<32768xf32, #tpu.memory_space<hbm>>
      tpu.enqueue_dma source(%dma_start3A_464 : memref<32768xf32, #tpu.memory_space<hbm>>) target(%arg10 : memref<32768xf32, #tpu.memory_space<vmem>>) target_semaphore(%run_scoped3A : memref<!tpu.dma_semaphore, #tpu.memory_space<semaphore_mem>>)
      %dma_wait3A_465 = tpu.memref_slice %arg3[%mul3A_10] : memref<1048576xf32, #tpu.memory_space<hbm>> -> memref<32768xf32, #tpu.memory_space<hbm>>
      %dma_wait3A_466 = tpu.memref_slice %arg3[%mul3A_10] : memref<1048576xf32, #tpu.memory_space<hbm>> -> memref<32768xf32, #tpu.memory_space<hbm>>
      tpu.wait_dma2 semaphore(%run_scoped3A : memref<!tpu.dma_semaphore, #tpu.memory_space<semaphore_mem>>) src(%dma_wait3A_466 : memref<32768xf32, #tpu.memory_space<hbm>>) dst(%arg10 : memref<32768xf32, #tpu.memory_space<vmem>>)
      tpu.yield
    }) : () -> ()
    %scan3A = arith.constant 0 : i32
    %scan3A_11 = arith.constant 0 : i32
    %scan3A_12 = arith.constant 256 : i32
    %scan3A_13 = arith.addi %scan3A_11, %scan3A_12 : i32
    %scan3A_14 = arith.constant 1 : i32
    scf.for %scan3A_463 = %scan3A_11 to %scan3A_13 step %scan3A_14  : i32 {
      %mul3A_464 = arith.constant 16 : i32
      %mul3A_465 = arith.muli %scan3A_463, %mul3A_464 : i32
      %multiple_of3A = tpu.assume_multiple %mul3A_465, 16 : i32
      %swap3A_466 = arith.index_cast %multiple_of3A : i32 to index
      %swap3A_467 = tpu.vector_load %arg12[%swap3A_466] {strides = array<i32>} : memref<4096xi32, #tpu.memory_space<vmem>>, vector<16xi32>,
      tpu.vector_store %arg12[%swap3A_466], %broadcast_in_dim3A_4 {strides = array<i32>} : memref<4096xi32, #tpu.memory_space<vmem>>, vector<16xi32>,
    }
    %scan3A_15 = arith.constant 256 : i32
    %scan3A_16 = arith.constant 0 : i32
    %scan3A_17 = arith.constant 0 : i32
    %scan3A_18 = arith.constant 2048 : i32
    %scan3A_19 = arith.addi %scan3A_17, %scan3A_18 : i32
    %scan3A_20 = arith.constant 1 : i32
    scf.for %scan3A_463 = %scan3A_17 to %scan3A_19 step %scan3A_20  : i32 {
      %mul3A_464 = arith.constant 16 : i32
      %mul3A_465 = arith.muli %scan3A_463, %mul3A_464 : i32
      %multiple_of3A = tpu.assume_multiple %mul3A_465, 16 : i32
      %get3A_466 = arith.index_cast %multiple_of3A : i32 to index
      %get3A_467 = tpu.vector_load %arg9[%get3A_466] {strides = array<i32>} : memref<32768xf32, #tpu.memory_space<vmem>>, vector<16xf32>,
      %get3A_468 = arith.index_cast %multiple_of3A : i32 to index
      %get3A_469 = tpu.vector_load %arg10[%get3A_468] {strides = array<i32>} : memref<32768xf32, #tpu.memory_space<vmem>>, vector<16xf32>,
      %add3A_470 = arith.addf %get3A_467, %get3A_469 : vector<16xf32>
      %swap3A_471 = arith.index_cast %multiple_of3A : i32 to index
      %swap3A_472 = tpu.vector_load %arg9[%swap3A_471] {strides = array<i32>} : memref<32768xf32, #tpu.memory_space<vmem>>, vector<16xf32>,
      tpu.vector_store %arg9[%swap3A_471], %add3A_470 {strides = array<i32>} : memref<32768xf32, #tpu.memory_space<vmem>>, vector<16xf32>,
      %bitcast_convert_type3A_473 = tpu.bitcast %add3A_470 : vector<16xf32> -> vector<16xi32>
      %ge3A_474 = arith.constant 0 : i32
      %ge3A_475 = vector.broadcast %ge3A_474 : i32 to vector<16xi32>
      %ge3A_476 = arith.cmpi sge, %bitcast_convert_type3A_473, %ge3A_475 : vector<16xi32>
      %xor3A_477 = arith.constant 2147483647 : i32
      %xor3A_478 = vector.broadcast %xor3A_477 : i32 to vector<16xi32>
      %xor3A_479 = arith.xori %bitcast_convert_type3A_473, %xor3A_478 : vector<16xi32>
      %select_n3A_480 = arith.select %ge3A_476, %bitcast_convert_type3A_473, %xor3A_479 : vector<16xi1>, vector<16xi32>
      %swap3A_481 = arith.index_cast %multiple_of3A : i32 to index
      %swap3A_482 = tpu.vector_load %arg11[%swap3A_481] {strides = array<i32>} : memref<32768xi32, #tpu.memory_space<vmem>>, vector<16xi32>,
      tpu.vector_store %arg11[%swap3A_481], %select_n3A_480 {strides = array<i32>} : memref<32768xi32, #tpu.memory_space<vmem>>, vector<16xi32>,
      %shift_right_logical3A = arith.constant 24 : i32
      %shift_right_logical3A_483 = vector.broadcast %shift_right_logical3A : i32 to vector<16xi32>
      %shift_right_logical3A_484 = arith.shrui %select_n3A_480, %shift_right_logical3A_483 : vector<16xi32>
      %xor3A_485 = arith.constant 128 : i32
      %xor3A_486 = vector.broadcast %xor3A_485 : i32 to vector<16xi32>
      %xor3A_487 = arith.xori %shift_right_logical3A_484, %xor3A_486 : vector<16xi32>
      %mul3A_488 = arith.constant 16 : i32
      %mul3A_489 = vector.broadcast %mul3A_488 : i32 to vector<16xi32>
      %mul3A_490 = arith.muli %xor3A_487, %mul3A_489 : vector<16xi32>
      %add3A_491 = arith.addi %mul3A_490, %iota3A : vector<16xi32>
      tpu.vector_store_idx %arg12[%add3A_491], %add3A_2 {add = true} : memref<4096xi32, #tpu.memory_space<vmem>>[vector<16xi32>], vector<16xi32>,
    }
    %scan3A_21 = arith.constant 2048 : i32
    %mul3A_22 = arith.constant 32768 : i32
    %mul3A_23 = arith.muli %add3A_6, %mul3A_22 : i32
    "tpu.region"() ({
      %run_scoped3A = tpu.sem_alloc : memref<!tpu.dma_semaphore, #tpu.memory_space<semaphore_mem>>
      %dma_start3A_463 = tpu.memref_slice %arg5[%mul3A_23] : memref<1048576xf32, #tpu.memory_space<hbm>> -> memref<32768xf32, #tpu.memory_space<hbm>>
      %dma_start3A_464 = tpu.memref_slice %arg5[%mul3A_23] : memref<1048576xf32, #tpu.memory_space<hbm>> -> memref<32768xf32, #tpu.memory_space<hbm>>
      tpu.enqueue_dma source(%arg9 : memref<32768xf32, #tpu.memory_space<vmem>>) target(%dma_start3A_464 : memref<32768xf32, #tpu.memory_space<hbm>>) target_semaphore(%run_scoped3A : memref<!tpu.dma_semaphore, #tpu.memory_space<semaphore_mem>>)
      %dma_wait3A_465 = tpu.memref_slice %arg5[%mul3A_23] : memref<1048576xf32, #tpu.memory_space<hbm>> -> memref<32768xf32, #tpu.memory_space<hbm>>
      %dma_wait3A_466 = tpu.memref_slice %arg5[%mul3A_23] : memref<1048576xf32, #tpu.memory_space<hbm>> -> memref<32768xf32, #tpu.memory_space<hbm>>
      tpu.wait_dma2 semaphore(%run_scoped3A : memref<!tpu.dma_semaphore, #tpu.memory_space<semaphore_mem>>) src(%arg9 : memref<32768xf32, #tpu.memory_space<vmem>>) dst(%dma_wait3A_466 : memref<32768xf32, #tpu.memory_space<hbm>>)
      tpu.yield
    }) : () -> ()
    %scan3A_24 = arith.constant 0 : i32
    %scan3A_25 = arith.constant 0 : i32
    %scan3A_26 = arith.constant 0 : i32
    %scan3A_27 = arith.constant 0 : i32
    %scan3A_28 = arith.constant 256 : i32
    %scan3A_29 = arith.addi %scan3A_27, %scan3A_28 : i32
    %scan3A_30 = arith.constant 1 : i32
    %scan3A_31:3 = scf.for %scan3A_463 = %scan3A_27 to %scan3A_29 step %scan3A_30 iter_args(%scan3A_464 = %scan3A_24, %scan3A_465 = %scan3A_25, %scan3A_466 = %scan3A_26) -> (i32, i32, i32)  : i32 {
      %sub3A_467 = arith.constant 255 : i32
      %sub3A_468 = arith.subi %sub3A_467, %scan3A_463 : i32
      %mul3A_469 = arith.constant 16 : i32
      %mul3A_470 = arith.muli %sub3A_468, %mul3A_469 : i32
      %multiple_of3A = tpu.assume_multiple %mul3A_470, 16 : i32
      %get3A_471 = arith.index_cast %multiple_of3A : i32 to index
      %get3A_472 = tpu.vector_load %arg12[%get3A_471] {strides = array<i32>} : memref<4096xi32, #tpu.memory_space<vmem>>, vector<16xi32>,
      %reduce_sum3A = arith.constant true
      %reduce_sum3A_473 = vector.broadcast %reduce_sum3A : i1 to vector<16xi1>
      %reduce_sum3A_474 = tpu.scan <sum>, %get3A_472 masked %reduce_sum3A_473 : vector<16xi32>, vector<16xi1> -> vector<16xi32>
      %reduce_sum3A_475 = vector.extract %reduce_sum3A_474[15] : i32 from vector<16xi32>
      %add3A_476 = arith.addi %scan3A_464, %reduce_sum3A_475 : i32
      %lt3A = arith.constant 128 : i32
      %lt3A_477 = arith.cmpi slt, %scan3A_464, %lt3A : i32
      %ge3A_478 = arith.constant 128 : i32
      %ge3A_479 = arith.cmpi sge, %add3A_476, %ge3A_478 : i32
      %and3A_480 = arith.andi %lt3A_477, %ge3A_479 : i1
      %select_n3A_481 = arith.select %and3A_480, %sub3A_468, %scan3A_465 : i32
      %select_n3A_482 = arith.select %and3A_480, %scan3A_464, %scan3A_466 : i32
      scf.yield %add3A_476, %select_n3A_481, %select_n3A_482 : i32, i32, i32
    }
    %scan3A_32 = arith.constant 256 : i32
    %xor3A = arith.constant 128 : i32
    %xor3A_33 = arith.xori %scan3A_31#1, %xor3A : i32
    %shift_left3A = arith.constant 24 : i32
    %shift_left3A_34 = arith.shli %xor3A_33, %shift_left3A : i32
    %swap3A = arith.constant 0 : index
    %swap3A_35 = tpu.vector_load %arg13[%swap3A] {strides = array<i32>} : memref<128xi32, #tpu.memory_space<vmem>>, vector<16xi32>,
    tpu.vector_store %arg13[%swap3A], %broadcast_in_dim3A_4 {strides = array<i32>} : memref<128xi32, #tpu.memory_space<vmem>>, vector<16xi32>,
    %swap3A_36 = arith.constant 16 : index
    %swap3A_37 = tpu.vector_load %arg13[%swap3A_36] {strides = array<i32>} : memref<128xi32, #tpu.memory_space<vmem>>, vector<16xi32>,
    tpu.vector_store %arg13[%swap3A_36], %broadcast_in_dim3A_4 {strides = array<i32>} : memref<128xi32, #tpu.memory_space<vmem>>, vector<16xi32>,
    %swap3A_38 = arith.constant 32 : index
    %swap3A_39 = tpu.vector_load %arg13[%swap3A_38] {strides = array<i32>} : memref<128xi32, #tpu.memory_space<vmem>>, vector<16xi32>,
    tpu.vector_store %arg13[%swap3A_38], %broadcast_in_dim3A_4 {strides = array<i32>} : memref<128xi32, #tpu.memory_space<vmem>>, vector<16xi32>,
    %swap3A_40 = arith.constant 48 : index
    %swap3A_41 = tpu.vector_load %arg13[%swap3A_40] {strides = array<i32>} : memref<128xi32, #tpu.memory_space<vmem>>, vector<16xi32>,
    tpu.vector_store %arg13[%swap3A_40], %broadcast_in_dim3A_4 {strides = array<i32>} : memref<128xi32, #tpu.memory_space<vmem>>, vector<16xi32>,
    %swap3A_42 = arith.constant 64 : index
    %swap3A_43 = tpu.vector_load %arg13[%swap3A_42] {strides = array<i32>} : memref<128xi32, #tpu.memory_space<vmem>>, vector<16xi32>,
    tpu.vector_store %arg13[%swap3A_42], %broadcast_in_dim3A_4 {strides = array<i32>} : memref<128xi32, #tpu.memory_space<vmem>>, vector<16xi32>,
    %swap3A_44 = arith.constant 80 : index
    %swap3A_45 = tpu.vector_load %arg13[%swap3A_44] {strides = array<i32>} : memref<128xi32, #tpu.memory_space<vmem>>, vector<16xi32>,
    tpu.vector_store %arg13[%swap3A_44], %broadcast_in_dim3A_4 {strides = array<i32>} : memref<128xi32, #tpu.memory_space<vmem>>, vector<16xi32>,
    %swap3A_46 = arith.constant 96 : index
    %swap3A_47 = tpu.vector_load %arg13[%swap3A_46] {strides = array<i32>} : memref<128xi32, #tpu.memory_space<vmem>>, vector<16xi32>,
    tpu.vector_store %arg13[%swap3A_46], %broadcast_in_dim3A_4 {strides = array<i32>} : memref<128xi32, #tpu.memory_space<vmem>>, vector<16xi32>,
    %swap3A_48 = arith.constant 112 : index
    %swap3A_49 = tpu.vector_load %arg13[%swap3A_48] {strides = array<i32>} : memref<128xi32, #tpu.memory_space<vmem>>, vector<16xi32>,
    tpu.vector_store %arg13[%swap3A_48], %broadcast_in_dim3A_4 {strides = array<i32>} : memref<128xi32, #tpu.memory_space<vmem>>, vector<16xi32>,
    %scan3A_50 = arith.constant 0 : i32
    %scan3A_51 = arith.constant 0 : i32
    %scan3A_52 = arith.constant 0 : i32
    %scan3A_53 = arith.constant 2048 : i32
    %scan3A_54 = arith.addi %scan3A_52, %scan3A_53 : i32
    %scan3A_55 = arith.constant 1 : i32
    %scan3A_56:2 = scf.for %scan3A_463 = %scan3A_52 to %scan3A_54 step %scan3A_55 iter_args(%scan3A_464 = %scan3A_50, %scan3A_465 = %scan3A_51) -> (i32, i32)  : i32 {
      %mul3A_466 = arith.constant 16 : i32
      %mul3A_467 = arith.muli %scan3A_463, %mul3A_466 : i32
      %multiple_of3A = tpu.assume_multiple %mul3A_467, 16 : i32
      %get3A_468 = arith.index_cast %multiple_of3A : i32 to index
      %get3A_469 = tpu.vector_load %arg11[%get3A_468] {strides = array<i32>} : memref<32768xi32, #tpu.memory_space<vmem>>, vector<16xi32>,
      %shift_right_logical3A = arith.constant 24 : i32
      %shift_right_logical3A_470 = vector.broadcast %shift_right_logical3A : i32 to vector<16xi32>
      %shift_right_logical3A_471 = arith.shrui %get3A_469, %shift_right_logical3A_470 : vector<16xi32>
      %xor3A_472 = arith.constant 128 : i32
      %xor3A_473 = vector.broadcast %xor3A_472 : i32 to vector<16xi32>
      %xor3A_474 = arith.xori %shift_right_logical3A_471, %xor3A_473 : vector<16xi32>
      %mul3A_475 = arith.constant 16 : i32
      %mul3A_476 = arith.muli %scan3A_463, %mul3A_475 : i32
      %add3A_477 = vector.broadcast %mul3A_476 : i32 to vector<16xi32>
      %add3A_478 = arith.addi %add3A_477, %iota3A : vector<16xi32>
      %gt3A = vector.broadcast %scan3A_31#1 : i32 to vector<16xi32>
      %gt3A_479 = arith.cmpi sgt, %xor3A_474, %gt3A : vector<16xi32>
      %eq3A = vector.broadcast %scan3A_31#1 : i32 to vector<16xi32>
      %eq3A_480 = arith.cmpi eq, %xor3A_474, %eq3A : vector<16xi32>
      %convert_element_type3A = arith.extui %gt3A_479 : vector<16xi1> to vector<16xi32>
      %broadcast_in_dim3A_481 = arith.constant true
      %broadcast_in_dim3A_482 = vector.broadcast %broadcast_in_dim3A_481 : i1 to vector<16xi1>
      %masked_cumsum3A = tpu.scan <sum>, %convert_element_type3A masked %broadcast_in_dim3A_482 : vector<16xi32>, vector<16xi1> -> vector<16xi32>
      %add3A_483 = vector.broadcast %scan3A_464 : i32 to vector<16xi32>
      %add3A_484 = arith.addi %add3A_483, %masked_cumsum3A : vector<16xi32>
      %sub3A_485 = arith.constant 1 : i32
      %sub3A_486 = vector.broadcast %sub3A_485 : i32 to vector<16xi32>
      %sub3A_487 = arith.subi %add3A_484, %sub3A_486 : vector<16xi32>
      %lt3A = arith.constant 128 : i32
      %lt3A_488 = vector.broadcast %lt3A : i32 to vector<16xi32>
      %lt3A_489 = arith.cmpi slt, %sub3A_487, %lt3A_488 : vector<16xi32>
      %and3A_490 = arith.andi %gt3A_479, %lt3A_489 : vector<16xi1>
      tpu.vector_store_idx %arg13[%sub3A_487], %add3A_478 masked %and3A_490 : memref<128xi32, #tpu.memory_space<vmem>>[vector<16xi32>], vector<16xi32>, vector<16xi1>
      %convert_element_type3A_491 = arith.extui %eq3A_480 : vector<16xi1> to vector<16xi32>
      %broadcast_in_dim3A_492 = arith.constant true
      %broadcast_in_dim3A_493 = vector.broadcast %broadcast_in_dim3A_492 : i1 to vector<16xi1>
      %masked_cumsum3A_494 = tpu.scan <sum>, %convert_element_type3A_491 masked %broadcast_in_dim3A_493 : vector<16xi32>, vector<16xi1> -> vector<16xi32>
      %add3A_495 = vector.broadcast %scan3A_465 : i32 to vector<16xi32>
      %add3A_496 = arith.addi %add3A_495, %masked_cumsum3A_494 : vector<16xi32>
      %sub3A_497 = arith.constant 1 : i32
      %sub3A_498 = vector.broadcast %sub3A_497 : i32 to vector<16xi32>
      %sub3A_499 = arith.subi %add3A_496, %sub3A_498 : vector<16xi32>
      %bitcast_convert_type3A_500 = tpu.bitcast %get3A_469 : vector<16xi32> -> vector<16xf32>
      tpu.vector_store_idx %arg9[%sub3A_499], %bitcast_convert_type3A_500 masked %eq3A_480 : memref<32768xf32, #tpu.memory_space<vmem>>[vector<16xi32>], vector<16xf32>, vector<16xi1>
      %bitcast_convert_type3A_501 = tpu.bitcast %add3A_478 : vector<16xi32> -> vector<16xf32>
      tpu.vector_store_idx %arg10[%sub3A_499], %bitcast_convert_type3A_501 masked %eq3A_480 : memref<32768xf32, #tpu.memory_space<vmem>>[vector<16xi32>], vector<16xf32>, vector<16xi1>
      %reduce_sum3A = arith.constant true
      %reduce_sum3A_502 = vector.broadcast %reduce_sum3A : i1 to vector<16xi1>
      %reduce_sum3A_503 = tpu.scan <sum>, %convert_element_type3A masked %reduce_sum3A_502 : vector<16xi32>, vector<16xi1> -> vector<16xi32>
      %reduce_sum3A_504 = vector.extract %reduce_sum3A_503[15] : i32 from vector<16xi32>
      %add3A_505 = arith.addi %scan3A_464, %reduce_sum3A_504 : i32
      %reduce_sum3A_506 = arith.constant true
      %reduce_sum3A_507 = vector.broadcast %reduce_sum3A_506 : i1 to vector<16xi1>
      %reduce_sum3A_508 = tpu.scan <sum>, %convert_element_type3A_491 masked %reduce_sum3A_507 : vector<16xi32>, vector<16xi1> -> vector<16xi32>
      %reduce_sum3A_509 = vector.extract %reduce_sum3A_508[15] : i32 from vector<16xi32>
      %add3A_510 = arith.addi %scan3A_465, %reduce_sum3A_509 : i32
      scf.yield %add3A_505, %add3A_510 : i32, i32
    }
    %scan3A_57 = arith.constant 2048 : i32
    %scan3A_58 = arith.constant 0 : i32
    %scan3A_59 = arith.constant 0 : i32
    %scan3A_60 = arith.constant 256 : i32
    %scan3A_61 = arith.addi %scan3A_59, %scan3A_60 : i32
    %scan3A_62 = arith.constant 1 : i32
    scf.for %scan3A_463 = %scan3A_59 to %scan3A_61 step %scan3A_62  : i32 {
      %mul3A_464 = arith.constant 16 : i32
      %mul3A_465 = arith.muli %scan3A_463, %mul3A_464 : i32
      %multiple_of3A = tpu.assume_multiple %mul3A_465, 16 : i32
      %swap3A_466 = arith.index_cast %multiple_of3A : i32 to index
      %swap3A_467 = tpu.vector_load %arg12[%swap3A_466] {strides = array<i32>} : memref<4096xi32, #tpu.memory_space<vmem>>, vector<16xi32>,
      tpu.vector_store %arg12[%swap3A_466], %broadcast_in_dim3A_4 {strides = array<i32>} : memref<4096xi32, #tpu.memory_space<vmem>>, vector<16xi32>,
    }
    %scan3A_63 = arith.constant 256 : i32
    %add3A_64 = arith.constant 15 : i32
    %add3A_65 = arith.addi %scan3A_56#1, %add3A_64 : i32
    %jit3A = arith.constant 16 : i32
    %div3A = arith.divsi %add3A_65, %jit3A : i32
    %sign3A = arith.constant 0 : i32
    %sign3A_66 = arith.cmpi sgt, %add3A_65, %sign3A : i32
    %sign3A_67 = arith.extui %sign3A_66 : i1 to i32
    %sign3A_68 = arith.constant 0 : i32
    %sign3A_69 = arith.cmpi slt, %add3A_65, %sign3A_68 : i32
    %sign3A_70 = arith.extui %sign3A_69 : i1 to i32
    %sign3A_71 = arith.subi %sign3A_67, %sign3A_70 : i32
    %sign3A_72 = arith.constant 0 : i32
    %sign3A_73 = arith.cmpi sgt, %jit3A, %sign3A_72 : i32
    %sign3A_74 = arith.extui %sign3A_73 : i1 to i32
    %sign3A_75 = arith.constant 0 : i32
    %sign3A_76 = arith.cmpi slt, %jit3A, %sign3A_75 : i32
    %sign3A_77 = arith.extui %sign3A_76 : i1 to i32
    %sign3A_78 = arith.subi %sign3A_74, %sign3A_77 : i32
    %ne3A = arith.cmpi ne, %sign3A_71, %sign3A_78 : i32
    %rem3A = arith.remsi %add3A_65, %jit3A : i32
    %ne3A_79 = arith.constant 0 : i32
    %ne3A_80 = arith.cmpi ne, %rem3A, %ne3A_79 : i32
    %and3A = arith.andi %ne3A, %ne3A_80 : i1
    %sub3A = arith.constant 1 : i32
    %sub3A_81 = arith.subi %div3A, %sub3A : i32
    %select_n3A = arith.select %and3A, %sub3A_81, %div3A : i32
    %while3A = arith.constant 0 : i32
    %while3A_82 = arith.constant -16777216 : i32
    %while3A_83 = arith.constant 0 : i32
    %while3A_84 = arith.subi %select_n3A, %while3A_83 : i32
    %while3A_85 = arith.addi %while3A_83, %while3A_84 : i32
    %while3A_86 = arith.constant 1 : i32
    %while3A_87 = arith.divsi %while3A_84, %while3A_86 : i32
    %while3A_88 = arith.muli %while3A_87, %while3A_86 : i32
    %while3A_89 = arith.addi %while3A_83, %while3A_88 : i32
    %while3A_90 = arith.constant 1 : i32
    scf.for %while3A_463 = %while3A_83 to %while3A_89 step %while3A_90  : i32 {
      %mul3A_464 = arith.constant 16 : i32
      %mul3A_465 = arith.muli %while3A_463, %mul3A_464 : i32
      %multiple_of3A = tpu.assume_multiple %mul3A_465, 16 : i32
      %get3A_466 = arith.index_cast %multiple_of3A : i32 to index
      %get3A_467 = tpu.vector_load %arg9[%get3A_466] {strides = array<i32>} : memref<32768xf32, #tpu.memory_space<vmem>>, vector<16xf32>,
      %bitcast_convert_type3A_468 = tpu.bitcast %get3A_467 : vector<16xf32> -> vector<16xi32>
      %mul3A_469 = arith.constant 16 : i32
      %mul3A_470 = arith.muli %while3A_463, %mul3A_469 : i32
      %add3A_471 = vector.broadcast %mul3A_470 : i32 to vector<16xi32>
      %add3A_472 = arith.addi %add3A_471, %iota3A : vector<16xi32>
      %lt3A = vector.broadcast %scan3A_56#1 : i32 to vector<16xi32>
      %lt3A_473 = arith.cmpi slt, %add3A_472, %lt3A : vector<16xi32>
      %and3A_474 = vector.broadcast %while3A_82 : i32 to vector<16xi32>
      %and3A_475 = arith.andi %bitcast_convert_type3A_468, %and3A_474 : vector<16xi32>
      %eq3A = vector.broadcast %shift_left3A_34 : i32 to vector<16xi32>
      %eq3A_476 = arith.cmpi eq, %and3A_475, %eq3A : vector<16xi32>
      %and3A_477 = arith.andi %eq3A_476, %lt3A_473 : vector<16xi1>
      %shift_right_logical3A = arith.constant 16 : i32
      %shift_right_logical3A_478 = vector.broadcast %shift_right_logical3A : i32 to vector<16xi32>
      %shift_right_logical3A_479 = arith.shrui %bitcast_convert_type3A_468, %shift_right_logical3A_478 : vector<16xi32>
      %and3A_480 = arith.constant 255 : i32
      %and3A_481 = vector.broadcast %and3A_480 : i32 to vector<16xi32>
      %and3A_482 = arith.andi %shift_right_logical3A_479, %and3A_481 : vector<16xi32>
      %mul3A_483 = arith.constant 16 : i32
      %mul3A_484 = vector.broadcast %mul3A_483 : i32 to vector<16xi32>
      %mul3A_485 = arith.muli %and3A_482, %mul3A_484 : vector<16xi32>
      %add3A_486 = arith.addi %mul3A_485, %iota3A : vector<16xi32>
      tpu.vector_store_idx %arg12[%add3A_486], %add3A_2 masked %and3A_477 {add = true} : memref<4096xi32, #tpu.memory_space<vmem>>[vector<16xi32>], vector<16xi32>, vector<16xi1>
    }
    %while3A_91 = arith.constant 1 : i32
    scf.for %while3A_463 = %while3A_89 to %while3A_85 step %while3A_91  : i32 {
      %mul3A_464 = arith.constant 16 : i32
      %mul3A_465 = arith.muli %while3A_463, %mul3A_464 : i32
      %multiple_of3A = tpu.assume_multiple %mul3A_465, 16 : i32
      %get3A_466 = arith.index_cast %multiple_of3A : i32 to index
      %get3A_467 = tpu.vector_load %arg9[%get3A_466] {strides = array<i32>} : memref<32768xf32, #tpu.memory_space<vmem>>, vector<16xf32>,
      %bitcast_convert_type3A_468 = tpu.bitcast %get3A_467 : vector<16xf32> -> vector<16xi32>
      %mul3A_469 = arith.constant 16 : i32
      %mul3A_470 = arith.muli %while3A_463, %mul3A_469 : i32
      %add3A_471 = vector.broadcast %mul3A_470 : i32 to vector<16xi32>
      %add3A_472 = arith.addi %add3A_471, %iota3A : vector<16xi32>
      %lt3A = vector.broadcast %scan3A_56#1 : i32 to vector<16xi32>
      %lt3A_473 = arith.cmpi slt, %add3A_472, %lt3A : vector<16xi32>
      %and3A_474 = vector.broadcast %while3A_82 : i32 to vector<16xi32>
      %and3A_475 = arith.andi %bitcast_convert_type3A_468, %and3A_474 : vector<16xi32>
      %eq3A = vector.broadcast %shift_left3A_34 : i32 to vector<16xi32>
      %eq3A_476 = arith.cmpi eq, %and3A_475, %eq3A : vector<16xi32>
      %and3A_477 = arith.andi %eq3A_476, %lt3A_473 : vector<16xi1>
      %shift_right_logical3A = arith.constant 16 : i32
      %shift_right_logical3A_478 = vector.broadcast %shift_right_logical3A : i32 to vector<16xi32>
      %shift_right_logical3A_479 = arith.shrui %bitcast_convert_type3A_468, %shift_right_logical3A_478 : vector<16xi32>
      %and3A_480 = arith.constant 255 : i32
      %and3A_481 = vector.broadcast %and3A_480 : i32 to vector<16xi32>
      %and3A_482 = arith.andi %shift_right_logical3A_479, %and3A_481 : vector<16xi32>
      %mul3A_483 = arith.constant 16 : i32
      %mul3A_484 = vector.broadcast %mul3A_483 : i32 to vector<16xi32>
      %mul3A_485 = arith.muli %and3A_482, %mul3A_484 : vector<16xi32>
      %add3A_486 = arith.addi %mul3A_485, %iota3A : vector<16xi32>
      tpu.vector_store_idx %arg12[%add3A_486], %add3A_2 masked %and3A_477 {add = true} : memref<4096xi32, #tpu.memory_space<vmem>>[vector<16xi32>], vector<16xi32>, vector<16xi1>
    }
    %sub3A_92 = arith.constant 128 : i32
    %sub3A_93 = arith.subi %sub3A_92, %scan3A_31#2 : i32
    %scan3A_94 = arith.constant 0 : i32
    %scan3A_95 = arith.constant 0 : i32
    %scan3A_96 = arith.constant 0 : i32
    %scan3A_97 = arith.constant 0 : i32
    %scan3A_98 = arith.constant 256 : i32
    %scan3A_99 = arith.addi %scan3A_97, %scan3A_98 : i32
    %scan3A_100 = arith.constant 1 : i32
    %scan3A_101:3 = scf.for %scan3A_463 = %scan3A_97 to %scan3A_99 step %scan3A_100 iter_args(%scan3A_464 = %scan3A_94, %scan3A_465 = %scan3A_95, %scan3A_466 = %scan3A_96) -> (i32, i32, i32)  : i32 {
      %sub3A_467 = arith.constant 255 : i32
      %sub3A_468 = arith.subi %sub3A_467, %scan3A_463 : i32
      %mul3A_469 = arith.constant 16 : i32
      %mul3A_470 = arith.muli %sub3A_468, %mul3A_469 : i32
      %multiple_of3A = tpu.assume_multiple %mul3A_470, 16 : i32
      %get3A_471 = arith.index_cast %multiple_of3A : i32 to index
      %get3A_472 = tpu.vector_load %arg12[%get3A_471] {strides = array<i32>} : memref<4096xi32, #tpu.memory_space<vmem>>, vector<16xi32>,
      %reduce_sum3A = arith.constant true
      %reduce_sum3A_473 = vector.broadcast %reduce_sum3A : i1 to vector<16xi1>
      %reduce_sum3A_474 = tpu.scan <sum>, %get3A_472 masked %reduce_sum3A_473 : vector<16xi32>, vector<16xi1> -> vector<16xi32>
      %reduce_sum3A_475 = vector.extract %reduce_sum3A_474[15] : i32 from vector<16xi32>
      %add3A_476 = arith.addi %scan3A_464, %reduce_sum3A_475 : i32
      %lt3A = arith.cmpi slt, %scan3A_464, %sub3A_93 : i32
      %ge3A_477 = arith.cmpi sge, %add3A_476, %sub3A_93 : i32
      %and3A_478 = arith.andi %lt3A, %ge3A_477 : i1
      %select_n3A_479 = arith.select %and3A_478, %sub3A_468, %scan3A_465 : i32
      %select_n3A_480 = arith.select %and3A_478, %scan3A_464, %scan3A_466 : i32
      scf.yield %add3A_476, %select_n3A_479, %select_n3A_480 : i32, i32, i32
    }
    %scan3A_102 = arith.constant 256 : i32
    %shift_left3A_103 = arith.constant 16 : i32
    %shift_left3A_104 = arith.shli %scan3A_101#1, %shift_left3A_103 : i32
    %or3A = arith.ori %shift_left3A_34, %shift_left3A_104 : i32
    %add3A_105 = arith.addi %scan3A_31#2, %scan3A_101#2 : i32
    %scan3A_106 = arith.constant 0 : i32
    %scan3A_107 = arith.constant 0 : i32
    %scan3A_108 = arith.constant 256 : i32
    %scan3A_109 = arith.addi %scan3A_107, %scan3A_108 : i32
    %scan3A_110 = arith.constant 1 : i32
    scf.for %scan3A_463 = %scan3A_107 to %scan3A_109 step %scan3A_110  : i32 {
      %mul3A_464 = arith.constant 16 : i32
      %mul3A_465 = arith.muli %scan3A_463, %mul3A_464 : i32
      %multiple_of3A = tpu.assume_multiple %mul3A_465, 16 : i32
      %swap3A_466 = arith.index_cast %multiple_of3A : i32 to index
      %swap3A_467 = tpu.vector_load %arg12[%swap3A_466] {strides = array<i32>} : memref<4096xi32, #tpu.memory_space<vmem>>, vector<16xi32>,
      tpu.vector_store %arg12[%swap3A_466], %broadcast_in_dim3A_4 {strides = array<i32>} : memref<4096xi32, #tpu.memory_space<vmem>>, vector<16xi32>,
    }
    %scan3A_111 = arith.constant 256 : i32
    %add3A_112 = arith.constant 15 : i32
    %add3A_113 = arith.addi %scan3A_56#1, %add3A_112 : i32
    %jit3A_114 = arith.constant 16 : i32
    %div3A_115 = arith.divsi %add3A_113, %jit3A_114 : i32
    %sign3A_116 = arith.constant 0 : i32
    %sign3A_117 = arith.cmpi sgt, %add3A_113, %sign3A_116 : i32
    %sign3A_118 = arith.extui %sign3A_117 : i1 to i32
    %sign3A_119 = arith.constant 0 : i32
    %sign3A_120 = arith.cmpi slt, %add3A_113, %sign3A_119 : i32
    %sign3A_121 = arith.extui %sign3A_120 : i1 to i32
    %sign3A_122 = arith.subi %sign3A_118, %sign3A_121 : i32
    %sign3A_123 = arith.constant 0 : i32
    %sign3A_124 = arith.cmpi sgt, %jit3A_114, %sign3A_123 : i32
    %sign3A_125 = arith.extui %sign3A_124 : i1 to i32
    %sign3A_126 = arith.constant 0 : i32
    %sign3A_127 = arith.cmpi slt, %jit3A_114, %sign3A_126 : i32
    %sign3A_128 = arith.extui %sign3A_127 : i1 to i32
    %sign3A_129 = arith.subi %sign3A_125, %sign3A_128 : i32
    %ne3A_130 = arith.cmpi ne, %sign3A_122, %sign3A_129 : i32
    %rem3A_131 = arith.remsi %add3A_113, %jit3A_114 : i32
    %ne3A_132 = arith.constant 0 : i32
    %ne3A_133 = arith.cmpi ne, %rem3A_131, %ne3A_132 : i32
    %and3A_134 = arith.andi %ne3A_130, %ne3A_133 : i1
    %sub3A_135 = arith.constant 1 : i32
    %sub3A_136 = arith.subi %div3A_115, %sub3A_135 : i32
    %select_n3A_137 = arith.select %and3A_134, %sub3A_136, %div3A_115 : i32
    %while3A_138 = arith.constant 0 : i32
    %while3A_139 = arith.constant -65536 : i32
    %while3A_140 = arith.constant 0 : i32
    %while3A_141 = arith.subi %select_n3A_137, %while3A_140 : i32
    %while3A_142 = arith.addi %while3A_140, %while3A_141 : i32
    %while3A_143 = arith.constant 1 : i32
    %while3A_144 = arith.divsi %while3A_141, %while3A_143 : i32
    %while3A_145 = arith.muli %while3A_144, %while3A_143 : i32
    %while3A_146 = arith.addi %while3A_140, %while3A_145 : i32
    %while3A_147 = arith.constant 1 : i32
    scf.for %while3A_463 = %while3A_140 to %while3A_146 step %while3A_147  : i32 {
      %mul3A_464 = arith.constant 16 : i32
      %mul3A_465 = arith.muli %while3A_463, %mul3A_464 : i32
      %multiple_of3A = tpu.assume_multiple %mul3A_465, 16 : i32
      %get3A_466 = arith.index_cast %multiple_of3A : i32 to index
      %get3A_467 = tpu.vector_load %arg9[%get3A_466] {strides = array<i32>} : memref<32768xf32, #tpu.memory_space<vmem>>, vector<16xf32>,
      %bitcast_convert_type3A_468 = tpu.bitcast %get3A_467 : vector<16xf32> -> vector<16xi32>
      %mul3A_469 = arith.constant 16 : i32
      %mul3A_470 = arith.muli %while3A_463, %mul3A_469 : i32
      %add3A_471 = vector.broadcast %mul3A_470 : i32 to vector<16xi32>
      %add3A_472 = arith.addi %add3A_471, %iota3A : vector<16xi32>
      %lt3A = vector.broadcast %scan3A_56#1 : i32 to vector<16xi32>
      %lt3A_473 = arith.cmpi slt, %add3A_472, %lt3A : vector<16xi32>
      %and3A_474 = vector.broadcast %while3A_139 : i32 to vector<16xi32>
      %and3A_475 = arith.andi %bitcast_convert_type3A_468, %and3A_474 : vector<16xi32>
      %eq3A = vector.broadcast %or3A : i32 to vector<16xi32>
      %eq3A_476 = arith.cmpi eq, %and3A_475, %eq3A : vector<16xi32>
      %and3A_477 = arith.andi %eq3A_476, %lt3A_473 : vector<16xi1>
      %shift_right_logical3A = arith.constant 8 : i32
      %shift_right_logical3A_478 = vector.broadcast %shift_right_logical3A : i32 to vector<16xi32>
      %shift_right_logical3A_479 = arith.shrui %bitcast_convert_type3A_468, %shift_right_logical3A_478 : vector<16xi32>
      %and3A_480 = arith.constant 255 : i32
      %and3A_481 = vector.broadcast %and3A_480 : i32 to vector<16xi32>
      %and3A_482 = arith.andi %shift_right_logical3A_479, %and3A_481 : vector<16xi32>
      %mul3A_483 = arith.constant 16 : i32
      %mul3A_484 = vector.broadcast %mul3A_483 : i32 to vector<16xi32>
      %mul3A_485 = arith.muli %and3A_482, %mul3A_484 : vector<16xi32>
      %add3A_486 = arith.addi %mul3A_485, %iota3A : vector<16xi32>
      tpu.vector_store_idx %arg12[%add3A_486], %add3A_2 masked %and3A_477 {add = true} : memref<4096xi32, #tpu.memory_space<vmem>>[vector<16xi32>], vector<16xi32>, vector<16xi1>
    }
    %while3A_148 = arith.constant 1 : i32
    scf.for %while3A_463 = %while3A_146 to %while3A_142 step %while3A_148  : i32 {
      %mul3A_464 = arith.constant 16 : i32
      %mul3A_465 = arith.muli %while3A_463, %mul3A_464 : i32
      %multiple_of3A = tpu.assume_multiple %mul3A_465, 16 : i32
      %get3A_466 = arith.index_cast %multiple_of3A : i32 to index
      %get3A_467 = tpu.vector_load %arg9[%get3A_466] {strides = array<i32>} : memref<32768xf32, #tpu.memory_space<vmem>>, vector<16xf32>,
      %bitcast_convert_type3A_468 = tpu.bitcast %get3A_467 : vector<16xf32> -> vector<16xi32>
      %mul3A_469 = arith.constant 16 : i32
      %mul3A_470 = arith.muli %while3A_463, %mul3A_469 : i32
      %add3A_471 = vector.broadcast %mul3A_470 : i32 to vector<16xi32>
      %add3A_472 = arith.addi %add3A_471, %iota3A : vector<16xi32>
      %lt3A = vector.broadcast %scan3A_56#1 : i32 to vector<16xi32>
      %lt3A_473 = arith.cmpi slt, %add3A_472, %lt3A : vector<16xi32>
      %and3A_474 = vector.broadcast %while3A_139 : i32 to vector<16xi32>
      %and3A_475 = arith.andi %bitcast_convert_type3A_468, %and3A_474 : vector<16xi32>
      %eq3A = vector.broadcast %or3A : i32 to vector<16xi32>
      %eq3A_476 = arith.cmpi eq, %and3A_475, %eq3A : vector<16xi32>
      %and3A_477 = arith.andi %eq3A_476, %lt3A_473 : vector<16xi1>
      %shift_right_logical3A = arith.constant 8 : i32
      %shift_right_logical3A_478 = vector.broadcast %shift_right_logical3A : i32 to vector<16xi32>
      %shift_right_logical3A_479 = arith.shrui %bitcast_convert_type3A_468, %shift_right_logical3A_478 : vector<16xi32>
      %and3A_480 = arith.constant 255 : i32
      %and3A_481 = vector.broadcast %and3A_480 : i32 to vector<16xi32>
      %and3A_482 = arith.andi %shift_right_logical3A_479, %and3A_481 : vector<16xi32>
      %mul3A_483 = arith.constant 16 : i32
      %mul3A_484 = vector.broadcast %mul3A_483 : i32 to vector<16xi32>
      %mul3A_485 = arith.muli %and3A_482, %mul3A_484 : vector<16xi32>
      %add3A_486 = arith.addi %mul3A_485, %iota3A : vector<16xi32>
      tpu.vector_store_idx %arg12[%add3A_486], %add3A_2 masked %and3A_477 {add = true} : memref<4096xi32, #tpu.memory_space<vmem>>[vector<16xi32>], vector<16xi32>, vector<16xi1>
    }
    %sub3A_149 = arith.constant 128 : i32
    %sub3A_150 = arith.subi %sub3A_149, %add3A_105 : i32
    %scan3A_151 = arith.constant 0 : i32
    %scan3A_152 = arith.constant 0 : i32
    %scan3A_153 = arith.constant 0 : i32
    %scan3A_154 = arith.constant 0 : i32
    %scan3A_155 = arith.constant 256 : i32
    %scan3A_156 = arith.addi %scan3A_154, %scan3A_155 : i32
    %scan3A_157 = arith.constant 1 : i32
    %scan3A_158:3 = scf.for %scan3A_463 = %scan3A_154 to %scan3A_156 step %scan3A_157 iter_args(%scan3A_464 = %scan3A_151, %scan3A_465 = %scan3A_152, %scan3A_466 = %scan3A_153) -> (i32, i32, i32)  : i32 {
      %sub3A_467 = arith.constant 255 : i32
      %sub3A_468 = arith.subi %sub3A_467, %scan3A_463 : i32
      %mul3A_469 = arith.constant 16 : i32
      %mul3A_470 = arith.muli %sub3A_468, %mul3A_469 : i32
      %multiple_of3A = tpu.assume_multiple %mul3A_470, 16 : i32
      %get3A_471 = arith.index_cast %multiple_of3A : i32 to index
      %get3A_472 = tpu.vector_load %arg12[%get3A_471] {strides = array<i32>} : memref<4096xi32, #tpu.memory_space<vmem>>, vector<16xi32>,
      %reduce_sum3A = arith.constant true
      %reduce_sum3A_473 = vector.broadcast %reduce_sum3A : i1 to vector<16xi1>
      %reduce_sum3A_474 = tpu.scan <sum>, %get3A_472 masked %reduce_sum3A_473 : vector<16xi32>, vector<16xi1> -> vector<16xi32>
      %reduce_sum3A_475 = vector.extract %reduce_sum3A_474[15] : i32 from vector<16xi32>
      %add3A_476 = arith.addi %scan3A_464, %reduce_sum3A_475 : i32
      %lt3A = arith.cmpi slt, %scan3A_464, %sub3A_150 : i32
      %ge3A_477 = arith.cmpi sge, %add3A_476, %sub3A_150 : i32
      %and3A_478 = arith.andi %lt3A, %ge3A_477 : i1
      %select_n3A_479 = arith.select %and3A_478, %sub3A_468, %scan3A_465 : i32
      %select_n3A_480 = arith.select %and3A_478, %scan3A_464, %scan3A_466 : i32
      scf.yield %add3A_476, %select_n3A_479, %select_n3A_480 : i32, i32, i32
    }
    %scan3A_159 = arith.constant 256 : i32
    %shift_left3A_160 = arith.constant 8 : i32
    %shift_left3A_161 = arith.shli %scan3A_158#1, %shift_left3A_160 : i32
    %or3A_162 = arith.ori %or3A, %shift_left3A_161 : i32
    %add3A_163 = arith.addi %add3A_105, %scan3A_158#2 : i32
    %scan3A_164 = arith.constant 0 : i32
    %scan3A_165 = arith.constant 0 : i32
    %scan3A_166 = arith.constant 256 : i32
    %scan3A_167 = arith.addi %scan3A_165, %scan3A_166 : i32
    %scan3A_168 = arith.constant 1 : i32
    scf.for %scan3A_463 = %scan3A_165 to %scan3A_167 step %scan3A_168  : i32 {
      %mul3A_464 = arith.constant 16 : i32
      %mul3A_465 = arith.muli %scan3A_463, %mul3A_464 : i32
      %multiple_of3A = tpu.assume_multiple %mul3A_465, 16 : i32
      %swap3A_466 = arith.index_cast %multiple_of3A : i32 to index
      %swap3A_467 = tpu.vector_load %arg12[%swap3A_466] {strides = array<i32>} : memref<4096xi32, #tpu.memory_space<vmem>>, vector<16xi32>,
      tpu.vector_store %arg12[%swap3A_466], %broadcast_in_dim3A_4 {strides = array<i32>} : memref<4096xi32, #tpu.memory_space<vmem>>, vector<16xi32>,
    }
    %scan3A_169 = arith.constant 256 : i32
    %add3A_170 = arith.constant 15 : i32
    %add3A_171 = arith.addi %scan3A_56#1, %add3A_170 : i32
    %jit3A_172 = arith.constant 16 : i32
    %div3A_173 = arith.divsi %add3A_171, %jit3A_172 : i32
    %sign3A_174 = arith.constant 0 : i32
    %sign3A_175 = arith.cmpi sgt, %add3A_171, %sign3A_174 : i32
    %sign3A_176 = arith.extui %sign3A_175 : i1 to i32
    %sign3A_177 = arith.constant 0 : i32
    %sign3A_178 = arith.cmpi slt, %add3A_171, %sign3A_177 : i32
    %sign3A_179 = arith.extui %sign3A_178 : i1 to i32
    %sign3A_180 = arith.subi %sign3A_176, %sign3A_179 : i32
    %sign3A_181 = arith.constant 0 : i32
    %sign3A_182 = arith.cmpi sgt, %jit3A_172, %sign3A_181 : i32
    %sign3A_183 = arith.extui %sign3A_182 : i1 to i32
    %sign3A_184 = arith.constant 0 : i32
    %sign3A_185 = arith.cmpi slt, %jit3A_172, %sign3A_184 : i32
    %sign3A_186 = arith.extui %sign3A_185 : i1 to i32
    %sign3A_187 = arith.subi %sign3A_183, %sign3A_186 : i32
    %ne3A_188 = arith.cmpi ne, %sign3A_180, %sign3A_187 : i32
    %rem3A_189 = arith.remsi %add3A_171, %jit3A_172 : i32
    %ne3A_190 = arith.constant 0 : i32
    %ne3A_191 = arith.cmpi ne, %rem3A_189, %ne3A_190 : i32
    %and3A_192 = arith.andi %ne3A_188, %ne3A_191 : i1
    %sub3A_193 = arith.constant 1 : i32
    %sub3A_194 = arith.subi %div3A_173, %sub3A_193 : i32
    %select_n3A_195 = arith.select %and3A_192, %sub3A_194, %div3A_173 : i32
    %while3A_196 = arith.constant 0 : i32
    %while3A_197 = arith.constant -256 : i32
    %while3A_198 = arith.constant 0 : i32
    %while3A_199 = arith.subi %select_n3A_195, %while3A_198 : i32
    %while3A_200 = arith.addi %while3A_198, %while3A_199 : i32
    %while3A_201 = arith.constant 1 : i32
    %while3A_202 = arith.divsi %while3A_199, %while3A_201 : i32
    %while3A_203 = arith.muli %while3A_202, %while3A_201 : i32
    %while3A_204 = arith.addi %while3A_198, %while3A_203 : i32
    %while3A_205 = arith.constant 1 : i32
    scf.for %while3A_463 = %while3A_198 to %while3A_204 step %while3A_205  : i32 {
      %mul3A_464 = arith.constant 16 : i32
      %mul3A_465 = arith.muli %while3A_463, %mul3A_464 : i32
      %multiple_of3A = tpu.assume_multiple %mul3A_465, 16 : i32
      %get3A_466 = arith.index_cast %multiple_of3A : i32 to index
      %get3A_467 = tpu.vector_load %arg9[%get3A_466] {strides = array<i32>} : memref<32768xf32, #tpu.memory_space<vmem>>, vector<16xf32>,
      %bitcast_convert_type3A_468 = tpu.bitcast %get3A_467 : vector<16xf32> -> vector<16xi32>
      %mul3A_469 = arith.constant 16 : i32
      %mul3A_470 = arith.muli %while3A_463, %mul3A_469 : i32
      %add3A_471 = vector.broadcast %mul3A_470 : i32 to vector<16xi32>
      %add3A_472 = arith.addi %add3A_471, %iota3A : vector<16xi32>
      %lt3A = vector.broadcast %scan3A_56#1 : i32 to vector<16xi32>
      %lt3A_473 = arith.cmpi slt, %add3A_472, %lt3A : vector<16xi32>
      %and3A_474 = vector.broadcast %while3A_197 : i32 to vector<16xi32>
      %and3A_475 = arith.andi %bitcast_convert_type3A_468, %and3A_474 : vector<16xi32>
      %eq3A = vector.broadcast %or3A_162 : i32 to vector<16xi32>
      %eq3A_476 = arith.cmpi eq, %and3A_475, %eq3A : vector<16xi32>
      %and3A_477 = arith.andi %eq3A_476, %lt3A_473 : vector<16xi1>
      %shift_right_logical3A = arith.constant 0 : i32
      %shift_right_logical3A_478 = vector.broadcast %shift_right_logical3A : i32 to vector<16xi32>
      %shift_right_logical3A_479 = arith.shrui %bitcast_convert_type3A_468, %shift_right_logical3A_478 : vector<16xi32>
      %and3A_480 = arith.constant 255 : i32
      %and3A_481 = vector.broadcast %and3A_480 : i32 to vector<16xi32>
      %and3A_482 = arith.andi %shift_right_logical3A_479, %and3A_481 : vector<16xi32>
      %mul3A_483 = arith.constant 16 : i32
      %mul3A_484 = vector.broadcast %mul3A_483 : i32 to vector<16xi32>
      %mul3A_485 = arith.muli %and3A_482, %mul3A_484 : vector<16xi32>
      %add3A_486 = arith.addi %mul3A_485, %iota3A : vector<16xi32>
      tpu.vector_store_idx %arg12[%add3A_486], %add3A_2 masked %and3A_477 {add = true} : memref<4096xi32, #tpu.memory_space<vmem>>[vector<16xi32>], vector<16xi32>, vector<16xi1>
    }
    %while3A_206 = arith.constant 1 : i32
    scf.for %while3A_463 = %while3A_204 to %while3A_200 step %while3A_206  : i32 {
      %mul3A_464 = arith.constant 16 : i32
      %mul3A_465 = arith.muli %while3A_463, %mul3A_464 : i32
      %multiple_of3A = tpu.assume_multiple %mul3A_465, 16 : i32
      %get3A_466 = arith.index_cast %multiple_of3A : i32 to index
      %get3A_467 = tpu.vector_load %arg9[%get3A_466] {strides = array<i32>} : memref<32768xf32, #tpu.memory_space<vmem>>, vector<16xf32>,
      %bitcast_convert_type3A_468 = tpu.bitcast %get3A_467 : vector<16xf32> -> vector<16xi32>
      %mul3A_469 = arith.constant 16 : i32
      %mul3A_470 = arith.muli %while3A_463, %mul3A_469 : i32
      %add3A_471 = vector.broadcast %mul3A_470 : i32 to vector<16xi32>
      %add3A_472 = arith.addi %add3A_471, %iota3A : vector<16xi32>
      %lt3A = vector.broadcast %scan3A_56#1 : i32 to vector<16xi32>
      %lt3A_473 = arith.cmpi slt, %add3A_472, %lt3A : vector<16xi32>
      %and3A_474 = vector.broadcast %while3A_197 : i32 to vector<16xi32>
      %and3A_475 = arith.andi %bitcast_convert_type3A_468, %and3A_474 : vector<16xi32>
      %eq3A = vector.broadcast %or3A_162 : i32 to vector<16xi32>
      %eq3A_476 = arith.cmpi eq, %and3A_475, %eq3A : vector<16xi32>
      %and3A_477 = arith.andi %eq3A_476, %lt3A_473 : vector<16xi1>
      %shift_right_logical3A = arith.constant 0 : i32
      %shift_right_logical3A_478 = vector.broadcast %shift_right_logical3A : i32 to vector<16xi32>
      %shift_right_logical3A_479 = arith.shrui %bitcast_convert_type3A_468, %shift_right_logical3A_478 : vector<16xi32>
      %and3A_480 = arith.constant 255 : i32
      %and3A_481 = vector.broadcast %and3A_480 : i32 to vector<16xi32>
      %and3A_482 = arith.andi %shift_right_logical3A_479, %and3A_481 : vector<16xi32>
      %mul3A_483 = arith.constant 16 : i32
      %mul3A_484 = vector.broadcast %mul3A_483 : i32 to vector<16xi32>
      %mul3A_485 = arith.muli %and3A_482, %mul3A_484 : vector<16xi32>
      %add3A_486 = arith.addi %mul3A_485, %iota3A : vector<16xi32>
      tpu.vector_store_idx %arg12[%add3A_486], %add3A_2 masked %and3A_477 {add = true} : memref<4096xi32, #tpu.memory_space<vmem>>[vector<16xi32>], vector<16xi32>, vector<16xi1>
    }
    %sub3A_207 = arith.constant 128 : i32
    %sub3A_208 = arith.subi %sub3A_207, %add3A_163 : i32
    %scan3A_209 = arith.constant 0 : i32
    %scan3A_210 = arith.constant 0 : i32
    %scan3A_211 = arith.constant 0 : i32
    %scan3A_212 = arith.constant 0 : i32
    %scan3A_213 = arith.constant 256 : i32
    %scan3A_214 = arith.addi %scan3A_212, %scan3A_213 : i32
    %scan3A_215 = arith.constant 1 : i32
    %scan3A_216:3 = scf.for %scan3A_463 = %scan3A_212 to %scan3A_214 step %scan3A_215 iter_args(%scan3A_464 = %scan3A_209, %scan3A_465 = %scan3A_210, %scan3A_466 = %scan3A_211) -> (i32, i32, i32)  : i32 {
      %sub3A_467 = arith.constant 255 : i32
      %sub3A_468 = arith.subi %sub3A_467, %scan3A_463 : i32
      %mul3A_469 = arith.constant 16 : i32
      %mul3A_470 = arith.muli %sub3A_468, %mul3A_469 : i32
      %multiple_of3A = tpu.assume_multiple %mul3A_470, 16 : i32
      %get3A_471 = arith.index_cast %multiple_of3A : i32 to index
      %get3A_472 = tpu.vector_load %arg12[%get3A_471] {strides = array<i32>} : memref<4096xi32, #tpu.memory_space<vmem>>, vector<16xi32>,
      %reduce_sum3A = arith.constant true
      %reduce_sum3A_473 = vector.broadcast %reduce_sum3A : i1 to vector<16xi1>
      %reduce_sum3A_474 = tpu.scan <sum>, %get3A_472 masked %reduce_sum3A_473 : vector<16xi32>, vector<16xi1> -> vector<16xi32>
      %reduce_sum3A_475 = vector.extract %reduce_sum3A_474[15] : i32 from vector<16xi32>
      %add3A_476 = arith.addi %scan3A_464, %reduce_sum3A_475 : i32
      %lt3A = arith.cmpi slt, %scan3A_464, %sub3A_208 : i32
      %ge3A_477 = arith.cmpi sge, %add3A_476, %sub3A_208 : i32
      %and3A_478 = arith.andi %lt3A, %ge3A_477 : i1
      %select_n3A_479 = arith.select %and3A_478, %sub3A_468, %scan3A_465 : i32
      %select_n3A_480 = arith.select %and3A_478, %scan3A_464, %scan3A_466 : i32
      scf.yield %add3A_476, %select_n3A_479, %select_n3A_480 : i32, i32, i32
    }
    %scan3A_217 = arith.constant 256 : i32
    %shift_left3A_218 = arith.constant 0 : i32
    %shift_left3A_219 = arith.shli %scan3A_216#1, %shift_left3A_218 : i32
    %or3A_220 = arith.ori %or3A_162, %shift_left3A_219 : i32
    %add3A_221 = arith.addi %add3A_163, %scan3A_216#2 : i32
    %add3A_222 = arith.constant 15 : i32
    %add3A_223 = arith.addi %scan3A_56#1, %add3A_222 : i32
    %jit3A_224 = arith.constant 16 : i32
    %div3A_225 = arith.divsi %add3A_223, %jit3A_224 : i32
    %sign3A_226 = arith.constant 0 : i32
    %sign3A_227 = arith.cmpi sgt, %add3A_223, %sign3A_226 : i32
    %sign3A_228 = arith.extui %sign3A_227 : i1 to i32
    %sign3A_229 = arith.constant 0 : i32
    %sign3A_230 = arith.cmpi slt, %add3A_223, %sign3A_229 : i32
    %sign3A_231 = arith.extui %sign3A_230 : i1 to i32
    %sign3A_232 = arith.subi %sign3A_228, %sign3A_231 : i32
    %sign3A_233 = arith.constant 0 : i32
    %sign3A_234 = arith.cmpi sgt, %jit3A_224, %sign3A_233 : i32
    %sign3A_235 = arith.extui %sign3A_234 : i1 to i32
    %sign3A_236 = arith.constant 0 : i32
    %sign3A_237 = arith.cmpi slt, %jit3A_224, %sign3A_236 : i32
    %sign3A_238 = arith.extui %sign3A_237 : i1 to i32
    %sign3A_239 = arith.subi %sign3A_235, %sign3A_238 : i32
    %ne3A_240 = arith.cmpi ne, %sign3A_232, %sign3A_239 : i32
    %rem3A_241 = arith.remsi %add3A_223, %jit3A_224 : i32
    %ne3A_242 = arith.constant 0 : i32
    %ne3A_243 = arith.cmpi ne, %rem3A_241, %ne3A_242 : i32
    %and3A_244 = arith.andi %ne3A_240, %ne3A_243 : i1
    %sub3A_245 = arith.constant 1 : i32
    %sub3A_246 = arith.subi %div3A_225, %sub3A_245 : i32
    %select_n3A_247 = arith.select %and3A_244, %sub3A_246, %div3A_225 : i32
    %while3A_248 = arith.constant 0 : i32
    %while3A_249 = arith.subi %select_n3A_247, %while3A_248 : i32
    %while3A_250 = arith.addi %while3A_248, %while3A_249 : i32
    %while3A_251 = arith.constant 1 : i32
    %while3A_252 = arith.divsi %while3A_249, %while3A_251 : i32
    %while3A_253 = arith.muli %while3A_252, %while3A_251 : i32
    %while3A_254 = arith.addi %while3A_248, %while3A_253 : i32
    %while3A_255 = arith.constant 1 : i32
    %while3A_256:2 = scf.for %while3A_463 = %while3A_248 to %while3A_254 step %while3A_255 iter_args(%while3A_464 = %scan3A_31#2, %while3A_465 = %add3A_221) -> (i32, i32)  : i32 {
      %mul3A_466 = arith.constant 16 : i32
      %mul3A_467 = arith.muli %while3A_463, %mul3A_466 : i32
      %multiple_of3A = tpu.assume_multiple %mul3A_467, 16 : i32
      %get3A_468 = arith.index_cast %multiple_of3A : i32 to index
      %get3A_469 = tpu.vector_load %arg9[%get3A_468] {strides = array<i32>} : memref<32768xf32, #tpu.memory_space<vmem>>, vector<16xf32>,
      %bitcast_convert_type3A_470 = tpu.bitcast %get3A_469 : vector<16xf32> -> vector<16xi32>
      %get3A_471 = arith.index_cast %multiple_of3A : i32 to index
      %get3A_472 = tpu.vector_load %arg10[%get3A_471] {strides = array<i32>} : memref<32768xf32, #tpu.memory_space<vmem>>, vector<16xf32>,
      %bitcast_convert_type3A_473 = tpu.bitcast %get3A_472 : vector<16xf32> -> vector<16xi32>
      %mul3A_474 = arith.constant 16 : i32
      %mul3A_475 = arith.muli %while3A_463, %mul3A_474 : i32
      %add3A_476 = vector.broadcast %mul3A_475 : i32 to vector<16xi32>
      %add3A_477 = arith.addi %add3A_476, %iota3A : vector<16xi32>
      %lt3A = vector.broadcast %scan3A_56#1 : i32 to vector<16xi32>
      %lt3A_478 = arith.cmpi slt, %add3A_477, %lt3A : vector<16xi32>
      %gt3A = vector.broadcast %or3A_220 : i32 to vector<16xi32>
      %gt3A_479 = arith.cmpi sgt, %bitcast_convert_type3A_470, %gt3A : vector<16xi32>
      %and3A_480 = arith.andi %gt3A_479, %lt3A_478 : vector<16xi1>
      %eq3A = vector.broadcast %or3A_220 : i32 to vector<16xi32>
      %eq3A_481 = arith.cmpi eq, %bitcast_convert_type3A_470, %eq3A : vector<16xi32>
      %and3A_482 = arith.andi %eq3A_481, %lt3A_478 : vector<16xi1>
      %convert_element_type3A = arith.extui %and3A_480 : vector<16xi1> to vector<16xi32>
      %broadcast_in_dim3A_483 = arith.constant true
      %broadcast_in_dim3A_484 = vector.broadcast %broadcast_in_dim3A_483 : i1 to vector<16xi1>
      %masked_cumsum3A = tpu.scan <sum>, %convert_element_type3A masked %broadcast_in_dim3A_484 : vector<16xi32>, vector<16xi1> -> vector<16xi32>
      %add3A_485 = vector.broadcast %while3A_464 : i32 to vector<16xi32>
      %add3A_486 = arith.addi %add3A_485, %masked_cumsum3A : vector<16xi32>
      %sub3A_487 = arith.constant 1 : i32
      %sub3A_488 = vector.broadcast %sub3A_487 : i32 to vector<16xi32>
      %sub3A_489 = arith.subi %add3A_486, %sub3A_488 : vector<16xi32>
      %lt3A_490 = arith.constant 128 : i32
      %lt3A_491 = vector.broadcast %lt3A_490 : i32 to vector<16xi32>
      %lt3A_492 = arith.cmpi slt, %sub3A_489, %lt3A_491 : vector<16xi32>
      %and3A_493 = arith.andi %and3A_480, %lt3A_492 : vector<16xi1>
      tpu.vector_store_idx %arg13[%sub3A_489], %bitcast_convert_type3A_473 masked %and3A_493 : memref<128xi32, #tpu.memory_space<vmem>>[vector<16xi32>], vector<16xi32>, vector<16xi1>
      %convert_element_type3A_494 = arith.extui %and3A_482 : vector<16xi1> to vector<16xi32>
      %broadcast_in_dim3A_495 = arith.constant true
      %broadcast_in_dim3A_496 = vector.broadcast %broadcast_in_dim3A_495 : i1 to vector<16xi1>
      %masked_cumsum3A_497 = tpu.scan <sum>, %convert_element_type3A_494 masked %broadcast_in_dim3A_496 : vector<16xi32>, vector<16xi1> -> vector<16xi32>
      %add3A_498 = vector.broadcast %while3A_465 : i32 to vector<16xi32>
      %add3A_499 = arith.addi %add3A_498, %masked_cumsum3A_497 : vector<16xi32>
      %sub3A_500 = arith.constant 1 : i32
      %sub3A_501 = vector.broadcast %sub3A_500 : i32 to vector<16xi32>
      %sub3A_502 = arith.subi %add3A_499, %sub3A_501 : vector<16xi32>
      %lt3A_503 = arith.constant 128 : i32
      %lt3A_504 = vector.broadcast %lt3A_503 : i32 to vector<16xi32>
      %lt3A_505 = arith.cmpi slt, %sub3A_502, %lt3A_504 : vector<16xi32>
      %and3A_506 = arith.andi %and3A_482, %lt3A_505 : vector<16xi1>
      tpu.vector_store_idx %arg13[%sub3A_502], %bitcast_convert_type3A_473 masked %and3A_506 : memref<128xi32, #tpu.memory_space<vmem>>[vector<16xi32>], vector<16xi32>, vector<16xi1>
      %reduce_sum3A = arith.constant true
      %reduce_sum3A_507 = vector.broadcast %reduce_sum3A : i1 to vector<16xi1>
      %reduce_sum3A_508 = tpu.scan <sum>, %convert_element_type3A masked %reduce_sum3A_507 : vector<16xi32>, vector<16xi1> -> vector<16xi32>
      %reduce_sum3A_509 = vector.extract %reduce_sum3A_508[15] : i32 from vector<16xi32>
      %add3A_510 = arith.addi %while3A_464, %reduce_sum3A_509 : i32
      %reduce_sum3A_511 = arith.constant true
      %reduce_sum3A_512 = vector.broadcast %reduce_sum3A_511 : i1 to vector<16xi1>
      %reduce_sum3A_513 = tpu.scan <sum>, %convert_element_type3A_494 masked %reduce_sum3A_512 : vector<16xi32>, vector<16xi1> -> vector<16xi32>
      %reduce_sum3A_514 = vector.extract %reduce_sum3A_513[15] : i32 from vector<16xi32>
      %add3A_515 = arith.addi %while3A_465, %reduce_sum3A_514 : i32
      scf.yield %add3A_510, %add3A_515 : i32, i32
    }
    %while3A_257 = arith.constant 1 : i32
    %while3A_258:2 = scf.for %while3A_463 = %while3A_254 to %while3A_250 step %while3A_257 iter_args(%while3A_464 = %while3A_256#0, %while3A_465 = %while3A_256#1) -> (i32, i32)  : i32 {
      %mul3A_466 = arith.constant 16 : i32
      %mul3A_467 = arith.muli %while3A_463, %mul3A_466 : i32
      %multiple_of3A = tpu.assume_multiple %mul3A_467, 16 : i32
      %get3A_468 = arith.index_cast %multiple_of3A : i32 to index
      %get3A_469 = tpu.vector_load %arg9[%get3A_468] {strides = array<i32>} : memref<32768xf32, #tpu.memory_space<vmem>>, vector<16xf32>,
      %bitcast_convert_type3A_470 = tpu.bitcast %get3A_469 : vector<16xf32> -> vector<16xi32>
      %get3A_471 = arith.index_cast %multiple_of3A : i32 to index
      %get3A_472 = tpu.vector_load %arg10[%get3A_471] {strides = array<i32>} : memref<32768xf32, #tpu.memory_space<vmem>>, vector<16xf32>,
      %bitcast_convert_type3A_473 = tpu.bitcast %get3A_472 : vector<16xf32> -> vector<16xi32>
      %mul3A_474 = arith.constant 16 : i32
      %mul3A_475 = arith.muli %while3A_463, %mul3A_474 : i32
      %add3A_476 = vector.broadcast %mul3A_475 : i32 to vector<16xi32>
      %add3A_477 = arith.addi %add3A_476, %iota3A : vector<16xi32>
      %lt3A = vector.broadcast %scan3A_56#1 : i32 to vector<16xi32>
      %lt3A_478 = arith.cmpi slt, %add3A_477, %lt3A : vector<16xi32>
      %gt3A = vector.broadcast %or3A_220 : i32 to vector<16xi32>
      %gt3A_479 = arith.cmpi sgt, %bitcast_convert_type3A_470, %gt3A : vector<16xi32>
      %and3A_480 = arith.andi %gt3A_479, %lt3A_478 : vector<16xi1>
      %eq3A = vector.broadcast %or3A_220 : i32 to vector<16xi32>
      %eq3A_481 = arith.cmpi eq, %bitcast_convert_type3A_470, %eq3A : vector<16xi32>
      %and3A_482 = arith.andi %eq3A_481, %lt3A_478 : vector<16xi1>
      %convert_element_type3A = arith.extui %and3A_480 : vector<16xi1> to vector<16xi32>
      %broadcast_in_dim3A_483 = arith.constant true
      %broadcast_in_dim3A_484 = vector.broadcast %broadcast_in_dim3A_483 : i1 to vector<16xi1>
      %masked_cumsum3A = tpu.scan <sum>, %convert_element_type3A masked %broadcast_in_dim3A_484 : vector<16xi32>, vector<16xi1> -> vector<16xi32>
      %add3A_485 = vector.broadcast %while3A_464 : i32 to vector<16xi32>
      %add3A_486 = arith.addi %add3A_485, %masked_cumsum3A : vector<16xi32>
      %sub3A_487 = arith.constant 1 : i32
      %sub3A_488 = vector.broadcast %sub3A_487 : i32 to vector<16xi32>
      %sub3A_489 = arith.subi %add3A_486, %sub3A_488 : vector<16xi32>
      %lt3A_490 = arith.constant 128 : i32
      %lt3A_491 = vector.broadcast %lt3A_490 : i32 to vector<16xi32>
      %lt3A_492 = arith.cmpi slt, %sub3A_489, %lt3A_491 : vector<16xi32>
      %and3A_493 = arith.andi %and3A_480, %lt3A_492 : vector<16xi1>
      tpu.vector_store_idx %arg13[%sub3A_489], %bitcast_convert_type3A_473 masked %and3A_493 : memref<128xi32, #tpu.memory_space<vmem>>[vector<16xi32>], vector<16xi32>, vector<16xi1>
      %convert_element_type3A_494 = arith.extui %and3A_482 : vector<16xi1> to vector<16xi32>
      %broadcast_in_dim3A_495 = arith.constant true
      %broadcast_in_dim3A_496 = vector.broadcast %broadcast_in_dim3A_495 : i1 to vector<16xi1>
      %masked_cumsum3A_497 = tpu.scan <sum>, %convert_element_type3A_494 masked %broadcast_in_dim3A_496 : vector<16xi32>, vector<16xi1> -> vector<16xi32>
      %add3A_498 = vector.broadcast %while3A_465 : i32 to vector<16xi32>
      %add3A_499 = arith.addi %add3A_498, %masked_cumsum3A_497 : vector<16xi32>
      %sub3A_500 = arith.constant 1 : i32
      %sub3A_501 = vector.broadcast %sub3A_500 : i32 to vector<16xi32>
      %sub3A_502 = arith.subi %add3A_499, %sub3A_501 : vector<16xi32>
      %lt3A_503 = arith.constant 128 : i32
      %lt3A_504 = vector.broadcast %lt3A_503 : i32 to vector<16xi32>
      %lt3A_505 = arith.cmpi slt, %sub3A_502, %lt3A_504 : vector<16xi32>
      %and3A_506 = arith.andi %and3A_482, %lt3A_505 : vector<16xi1>
      tpu.vector_store_idx %arg13[%sub3A_502], %bitcast_convert_type3A_473 masked %and3A_506 : memref<128xi32, #tpu.memory_space<vmem>>[vector<16xi32>], vector<16xi32>, vector<16xi1>
      %reduce_sum3A = arith.constant true
      %reduce_sum3A_507 = vector.broadcast %reduce_sum3A : i1 to vector<16xi1>
      %reduce_sum3A_508 = tpu.scan <sum>, %convert_element_type3A masked %reduce_sum3A_507 : vector<16xi32>, vector<16xi1> -> vector<16xi32>
      %reduce_sum3A_509 = vector.extract %reduce_sum3A_508[15] : i32 from vector<16xi32>
      %add3A_510 = arith.addi %while3A_464, %reduce_sum3A_509 : i32
      %reduce_sum3A_511 = arith.constant true
      %reduce_sum3A_512 = vector.broadcast %reduce_sum3A_511 : i1 to vector<16xi1>
      %reduce_sum3A_513 = tpu.scan <sum>, %convert_element_type3A_494 masked %reduce_sum3A_512 : vector<16xi32>, vector<16xi1> -> vector<16xi32>
      %reduce_sum3A_514 = vector.extract %reduce_sum3A_513[15] : i32 from vector<16xi32>
      %add3A_515 = arith.addi %while3A_465, %reduce_sum3A_514 : i32
      scf.yield %add3A_510, %add3A_515 : i32, i32
    }
    %get3A = arith.constant 0 : index
    %get3A_259 = tpu.vector_load %arg13[%get3A] {strides = array<i32>} : memref<128xi32, #tpu.memory_space<vmem>>, vector<16xi32>,
    %gather3A = tpu.vector_load_idx %arg11[%get3A_259] : memref<32768xi32, #tpu.memory_space<vmem>>[vector<16xi32>], vector<16xi32>,
    %ge3A = arith.constant 0 : i32
    %ge3A_260 = vector.broadcast %ge3A : i32 to vector<16xi32>
    %ge3A_261 = arith.cmpi sge, %gather3A, %ge3A_260 : vector<16xi32>
    %xor3A_262 = arith.constant 2147483647 : i32
    %xor3A_263 = vector.broadcast %xor3A_262 : i32 to vector<16xi32>
    %xor3A_264 = arith.xori %gather3A, %xor3A_263 : vector<16xi32>
    %select_n3A_265 = arith.select %ge3A_261, %gather3A, %xor3A_264 : vector<16xi1>, vector<16xi32>
    %bitcast_convert_type3A = tpu.bitcast %select_n3A_265 : vector<16xi32> -> vector<16xf32>
    %swap3A_266 = arith.constant 0 : index
    %swap3A_267 = tpu.vector_load %arg14[%swap3A_266] {strides = array<i32>} : memref<128xf32, #tpu.memory_space<vmem>>, vector<16xf32>,
    tpu.vector_store %arg14[%swap3A_266], %bitcast_convert_type3A {strides = array<i32>} : memref<128xf32, #tpu.memory_space<vmem>>, vector<16xf32>,
    %mul3A_268 = arith.constant 32768 : i32
    %mul3A_269 = arith.muli %add3A_6, %mul3A_268 : i32
    %add3A_270 = vector.broadcast %mul3A_269 : i32 to vector<16xi32>
    %add3A_271 = arith.addi %get3A_259, %add3A_270 : vector<16xi32>
    %jit3A_272 = arith.constant 0 : i32
    %jit3A_273 = arith.constant 1048575 : i32
    %max3A = vector.broadcast %jit3A_272 : i32 to vector<16xi32>
    %max3A_274 = arith.maxsi %max3A, %add3A_271 : vector<16xi32>
    %min3A = vector.broadcast %jit3A_273 : i32 to vector<16xi32>
    %min3A_275 = arith.minsi %min3A, %max3A_274 : vector<16xi32>
    %swap3A_276 = arith.constant 0 : index
    %swap3A_277 = tpu.vector_load %arg15[%swap3A_276] {strides = array<i32>} : memref<128xi32, #tpu.memory_space<vmem>>, vector<16xi32>,
    tpu.vector_store %arg15[%swap3A_276], %min3A_275 {strides = array<i32>} : memref<128xi32, #tpu.memory_space<vmem>>, vector<16xi32>,
    %get3A_278 = arith.constant 16 : index
    %get3A_279 = tpu.vector_load %arg13[%get3A_278] {strides = array<i32>} : memref<128xi32, #tpu.memory_space<vmem>>, vector<16xi32>,
    %gather3A_280 = tpu.vector_load_idx %arg11[%get3A_279] : memref<32768xi32, #tpu.memory_space<vmem>>[vector<16xi32>], vector<16xi32>,
    %ge3A_281 = arith.constant 0 : i32
    %ge3A_282 = vector.broadcast %ge3A_281 : i32 to vector<16xi32>
    %ge3A_283 = arith.cmpi sge, %gather3A_280, %ge3A_282 : vector<16xi32>
    %xor3A_284 = arith.constant 2147483647 : i32
    %xor3A_285 = vector.broadcast %xor3A_284 : i32 to vector<16xi32>
    %xor3A_286 = arith.xori %gather3A_280, %xor3A_285 : vector<16xi32>
    %select_n3A_287 = arith.select %ge3A_283, %gather3A_280, %xor3A_286 : vector<16xi1>, vector<16xi32>
    %bitcast_convert_type3A_288 = tpu.bitcast %select_n3A_287 : vector<16xi32> -> vector<16xf32>
    %swap3A_289 = arith.constant 16 : index
    %swap3A_290 = tpu.vector_load %arg14[%swap3A_289] {strides = array<i32>} : memref<128xf32, #tpu.memory_space<vmem>>, vector<16xf32>,
    tpu.vector_store %arg14[%swap3A_289], %bitcast_convert_type3A_288 {strides = array<i32>} : memref<128xf32, #tpu.memory_space<vmem>>, vector<16xf32>,
    %mul3A_291 = arith.constant 32768 : i32
    %mul3A_292 = arith.muli %add3A_6, %mul3A_291 : i32
    %add3A_293 = vector.broadcast %mul3A_292 : i32 to vector<16xi32>
    %add3A_294 = arith.addi %get3A_279, %add3A_293 : vector<16xi32>
    %jit3A_295 = arith.constant 0 : i32
    %jit3A_296 = arith.constant 1048575 : i32
    %max3A_297 = vector.broadcast %jit3A_295 : i32 to vector<16xi32>
    %max3A_298 = arith.maxsi %max3A_297, %add3A_294 : vector<16xi32>
    %min3A_299 = vector.broadcast %jit3A_296 : i32 to vector<16xi32>
    %min3A_300 = arith.minsi %min3A_299, %max3A_298 : vector<16xi32>
    %swap3A_301 = arith.constant 16 : index
    %swap3A_302 = tpu.vector_load %arg15[%swap3A_301] {strides = array<i32>} : memref<128xi32, #tpu.memory_space<vmem>>, vector<16xi32>,
    tpu.vector_store %arg15[%swap3A_301], %min3A_300 {strides = array<i32>} : memref<128xi32, #tpu.memory_space<vmem>>, vector<16xi32>,
    %get3A_303 = arith.constant 32 : index
    %get3A_304 = tpu.vector_load %arg13[%get3A_303] {strides = array<i32>} : memref<128xi32, #tpu.memory_space<vmem>>, vector<16xi32>,
    %gather3A_305 = tpu.vector_load_idx %arg11[%get3A_304] : memref<32768xi32, #tpu.memory_space<vmem>>[vector<16xi32>], vector<16xi32>,
    %ge3A_306 = arith.constant 0 : i32
    %ge3A_307 = vector.broadcast %ge3A_306 : i32 to vector<16xi32>
    %ge3A_308 = arith.cmpi sge, %gather3A_305, %ge3A_307 : vector<16xi32>
    %xor3A_309 = arith.constant 2147483647 : i32
    %xor3A_310 = vector.broadcast %xor3A_309 : i32 to vector<16xi32>
    %xor3A_311 = arith.xori %gather3A_305, %xor3A_310 : vector<16xi32>
    %select_n3A_312 = arith.select %ge3A_308, %gather3A_305, %xor3A_311 : vector<16xi1>, vector<16xi32>
    %bitcast_convert_type3A_313 = tpu.bitcast %select_n3A_312 : vector<16xi32> -> vector<16xf32>
    %swap3A_314 = arith.constant 32 : index
    %swap3A_315 = tpu.vector_load %arg14[%swap3A_314] {strides = array<i32>} : memref<128xf32, #tpu.memory_space<vmem>>, vector<16xf32>,
    tpu.vector_store %arg14[%swap3A_314], %bitcast_convert_type3A_313 {strides = array<i32>} : memref<128xf32, #tpu.memory_space<vmem>>, vector<16xf32>,
    %mul3A_316 = arith.constant 32768 : i32
    %mul3A_317 = arith.muli %add3A_6, %mul3A_316 : i32
    %add3A_318 = vector.broadcast %mul3A_317 : i32 to vector<16xi32>
    %add3A_319 = arith.addi %get3A_304, %add3A_318 : vector<16xi32>
    %jit3A_320 = arith.constant 0 : i32
    %jit3A_321 = arith.constant 1048575 : i32
    %max3A_322 = vector.broadcast %jit3A_320 : i32 to vector<16xi32>
    %max3A_323 = arith.maxsi %max3A_322, %add3A_319 : vector<16xi32>
    %min3A_324 = vector.broadcast %jit3A_321 : i32 to vector<16xi32>
    %min3A_325 = arith.minsi %min3A_324, %max3A_323 : vector<16xi32>
    %swap3A_326 = arith.constant 32 : index
    %swap3A_327 = tpu.vector_load %arg15[%swap3A_326] {strides = array<i32>} : memref<128xi32, #tpu.memory_space<vmem>>, vector<16xi32>,
    tpu.vector_store %arg15[%swap3A_326], %min3A_325 {strides = array<i32>} : memref<128xi32, #tpu.memory_space<vmem>>, vector<16xi32>,
    %get3A_328 = arith.constant 48 : index
    %get3A_329 = tpu.vector_load %arg13[%get3A_328] {strides = array<i32>} : memref<128xi32, #tpu.memory_space<vmem>>, vector<16xi32>,
    %gather3A_330 = tpu.vector_load_idx %arg11[%get3A_329] : memref<32768xi32, #tpu.memory_space<vmem>>[vector<16xi32>], vector<16xi32>,
    %ge3A_331 = arith.constant 0 : i32
    %ge3A_332 = vector.broadcast %ge3A_331 : i32 to vector<16xi32>
    %ge3A_333 = arith.cmpi sge, %gather3A_330, %ge3A_332 : vector<16xi32>
    %xor3A_334 = arith.constant 2147483647 : i32
    %xor3A_335 = vector.broadcast %xor3A_334 : i32 to vector<16xi32>
    %xor3A_336 = arith.xori %gather3A_330, %xor3A_335 : vector<16xi32>
    %select_n3A_337 = arith.select %ge3A_333, %gather3A_330, %xor3A_336 : vector<16xi1>, vector<16xi32>
    %bitcast_convert_type3A_338 = tpu.bitcast %select_n3A_337 : vector<16xi32> -> vector<16xf32>
    %swap3A_339 = arith.constant 48 : index
    %swap3A_340 = tpu.vector_load %arg14[%swap3A_339] {strides = array<i32>} : memref<128xf32, #tpu.memory_space<vmem>>, vector<16xf32>,
    tpu.vector_store %arg14[%swap3A_339], %bitcast_convert_type3A_338 {strides = array<i32>} : memref<128xf32, #tpu.memory_space<vmem>>, vector<16xf32>,
    %mul3A_341 = arith.constant 32768 : i32
    %mul3A_342 = arith.muli %add3A_6, %mul3A_341 : i32
    %add3A_343 = vector.broadcast %mul3A_342 : i32 to vector<16xi32>
    %add3A_344 = arith.addi %get3A_329, %add3A_343 : vector<16xi32>
    %jit3A_345 = arith.constant 0 : i32
    %jit3A_346 = arith.constant 1048575 : i32
    %max3A_347 = vector.broadcast %jit3A_345 : i32 to vector<16xi32>
    %max3A_348 = arith.maxsi %max3A_347, %add3A_344 : vector<16xi32>
    %min3A_349 = vector.broadcast %jit3A_346 : i32 to vector<16xi32>
    %min3A_350 = arith.minsi %min3A_349, %max3A_348 : vector<16xi32>
    %swap3A_351 = arith.constant 48 : index
    %swap3A_352 = tpu.vector_load %arg15[%swap3A_351] {strides = array<i32>} : memref<128xi32, #tpu.memory_space<vmem>>, vector<16xi32>,
    tpu.vector_store %arg15[%swap3A_351], %min3A_350 {strides = array<i32>} : memref<128xi32, #tpu.memory_space<vmem>>, vector<16xi32>,
    %get3A_353 = arith.constant 64 : index
    %get3A_354 = tpu.vector_load %arg13[%get3A_353] {strides = array<i32>} : memref<128xi32, #tpu.memory_space<vmem>>, vector<16xi32>,
    %gather3A_355 = tpu.vector_load_idx %arg11[%get3A_354] : memref<32768xi32, #tpu.memory_space<vmem>>[vector<16xi32>], vector<16xi32>,
    %ge3A_356 = arith.constant 0 : i32
    %ge3A_357 = vector.broadcast %ge3A_356 : i32 to vector<16xi32>
    %ge3A_358 = arith.cmpi sge, %gather3A_355, %ge3A_357 : vector<16xi32>
    %xor3A_359 = arith.constant 2147483647 : i32
    %xor3A_360 = vector.broadcast %xor3A_359 : i32 to vector<16xi32>
    %xor3A_361 = arith.xori %gather3A_355, %xor3A_360 : vector<16xi32>
    %select_n3A_362 = arith.select %ge3A_358, %gather3A_355, %xor3A_361 : vector<16xi1>, vector<16xi32>
    %bitcast_convert_type3A_363 = tpu.bitcast %select_n3A_362 : vector<16xi32> -> vector<16xf32>
    %swap3A_364 = arith.constant 64 : index
    %swap3A_365 = tpu.vector_load %arg14[%swap3A_364] {strides = array<i32>} : memref<128xf32, #tpu.memory_space<vmem>>, vector<16xf32>,
    tpu.vector_store %arg14[%swap3A_364], %bitcast_convert_type3A_363 {strides = array<i32>} : memref<128xf32, #tpu.memory_space<vmem>>, vector<16xf32>,
    %mul3A_366 = arith.constant 32768 : i32
    %mul3A_367 = arith.muli %add3A_6, %mul3A_366 : i32
    %add3A_368 = vector.broadcast %mul3A_367 : i32 to vector<16xi32>
    %add3A_369 = arith.addi %get3A_354, %add3A_368 : vector<16xi32>
    %jit3A_370 = arith.constant 0 : i32
    %jit3A_371 = arith.constant 1048575 : i32
    %max3A_372 = vector.broadcast %jit3A_370 : i32 to vector<16xi32>
    %max3A_373 = arith.maxsi %max3A_372, %add3A_369 : vector<16xi32>
    %min3A_374 = vector.broadcast %jit3A_371 : i32 to vector<16xi32>
    %min3A_375 = arith.minsi %min3A_374, %max3A_373 : vector<16xi32>
    %swap3A_376 = arith.constant 64 : index
    %swap3A_377 = tpu.vector_load %arg15[%swap3A_376] {strides = array<i32>} : memref<128xi32, #tpu.memory_space<vmem>>, vector<16xi32>,
    tpu.vector_store %arg15[%swap3A_376], %min3A_375 {strides = array<i32>} : memref<128xi32, #tpu.memory_space<vmem>>, vector<16xi32>,
    %get3A_378 = arith.constant 80 : index
    %get3A_379 = tpu.vector_load %arg13[%get3A_378] {strides = array<i32>} : memref<128xi32, #tpu.memory_space<vmem>>, vector<16xi32>,
    %gather3A_380 = tpu.vector_load_idx %arg11[%get3A_379] : memref<32768xi32, #tpu.memory_space<vmem>>[vector<16xi32>], vector<16xi32>,
    %ge3A_381 = arith.constant 0 : i32
    %ge3A_382 = vector.broadcast %ge3A_381 : i32 to vector<16xi32>
    %ge3A_383 = arith.cmpi sge, %gather3A_380, %ge3A_382 : vector<16xi32>
    %xor3A_384 = arith.constant 2147483647 : i32
    %xor3A_385 = vector.broadcast %xor3A_384 : i32 to vector<16xi32>
    %xor3A_386 = arith.xori %gather3A_380, %xor3A_385 : vector<16xi32>
    %select_n3A_387 = arith.select %ge3A_383, %gather3A_380, %xor3A_386 : vector<16xi1>, vector<16xi32>
    %bitcast_convert_type3A_388 = tpu.bitcast %select_n3A_387 : vector<16xi32> -> vector<16xf32>
    %swap3A_389 = arith.constant 80 : index
    %swap3A_390 = tpu.vector_load %arg14[%swap3A_389] {strides = array<i32>} : memref<128xf32, #tpu.memory_space<vmem>>, vector<16xf32>,
    tpu.vector_store %arg14[%swap3A_389], %bitcast_convert_type3A_388 {strides = array<i32>} : memref<128xf32, #tpu.memory_space<vmem>>, vector<16xf32>,
    %mul3A_391 = arith.constant 32768 : i32
    %mul3A_392 = arith.muli %add3A_6, %mul3A_391 : i32
    %add3A_393 = vector.broadcast %mul3A_392 : i32 to vector<16xi32>
    %add3A_394 = arith.addi %get3A_379, %add3A_393 : vector<16xi32>
    %jit3A_395 = arith.constant 0 : i32
    %jit3A_396 = arith.constant 1048575 : i32
    %max3A_397 = vector.broadcast %jit3A_395 : i32 to vector<16xi32>
    %max3A_398 = arith.maxsi %max3A_397, %add3A_394 : vector<16xi32>
    %min3A_399 = vector.broadcast %jit3A_396 : i32 to vector<16xi32>
    %min3A_400 = arith.minsi %min3A_399, %max3A_398 : vector<16xi32>
    %swap3A_401 = arith.constant 80 : index
    %swap3A_402 = tpu.vector_load %arg15[%swap3A_401] {strides = array<i32>} : memref<128xi32, #tpu.memory_space<vmem>>, vector<16xi32>,
    tpu.vector_store %arg15[%swap3A_401], %min3A_400 {strides = array<i32>} : memref<128xi32, #tpu.memory_space<vmem>>, vector<16xi32>,
    %get3A_403 = arith.constant 96 : index
    %get3A_404 = tpu.vector_load %arg13[%get3A_403] {strides = array<i32>} : memref<128xi32, #tpu.memory_space<vmem>>, vector<16xi32>,
    %gather3A_405 = tpu.vector_load_idx %arg11[%get3A_404] : memref<32768xi32, #tpu.memory_space<vmem>>[vector<16xi32>], vector<16xi32>,
    %ge3A_406 = arith.constant 0 : i32
    %ge3A_407 = vector.broadcast %ge3A_406 : i32 to vector<16xi32>
    %ge3A_408 = arith.cmpi sge, %gather3A_405, %ge3A_407 : vector<16xi32>
    %xor3A_409 = arith.constant 2147483647 : i32
    %xor3A_410 = vector.broadcast %xor3A_409 : i32 to vector<16xi32>
    %xor3A_411 = arith.xori %gather3A_405, %xor3A_410 : vector<16xi32>
    %select_n3A_412 = arith.select %ge3A_408, %gather3A_405, %xor3A_411 : vector<16xi1>, vector<16xi32>
    %bitcast_convert_type3A_413 = tpu.bitcast %select_n3A_412 : vector<16xi32> -> vector<16xf32>
    %swap3A_414 = arith.constant 96 : index
    %swap3A_415 = tpu.vector_load %arg14[%swap3A_414] {strides = array<i32>} : memref<128xf32, #tpu.memory_space<vmem>>, vector<16xf32>,
    tpu.vector_store %arg14[%swap3A_414], %bitcast_convert_type3A_413 {strides = array<i32>} : memref<128xf32, #tpu.memory_space<vmem>>, vector<16xf32>,
    %mul3A_416 = arith.constant 32768 : i32
    %mul3A_417 = arith.muli %add3A_6, %mul3A_416 : i32
    %add3A_418 = vector.broadcast %mul3A_417 : i32 to vector<16xi32>
    %add3A_419 = arith.addi %get3A_404, %add3A_418 : vector<16xi32>
    %jit3A_420 = arith.constant 0 : i32
    %jit3A_421 = arith.constant 1048575 : i32
    %max3A_422 = vector.broadcast %jit3A_420 : i32 to vector<16xi32>
    %max3A_423 = arith.maxsi %max3A_422, %add3A_419 : vector<16xi32>
    %min3A_424 = vector.broadcast %jit3A_421 : i32 to vector<16xi32>
    %min3A_425 = arith.minsi %min3A_424, %max3A_423 : vector<16xi32>
    %swap3A_426 = arith.constant 96 : index
    %swap3A_427 = tpu.vector_load %arg15[%swap3A_426] {strides = array<i32>} : memref<128xi32, #tpu.memory_space<vmem>>, vector<16xi32>,
    tpu.vector_store %arg15[%swap3A_426], %min3A_425 {strides = array<i32>} : memref<128xi32, #tpu.memory_space<vmem>>, vector<16xi32>,
    %get3A_428 = arith.constant 112 : index
    %get3A_429 = tpu.vector_load %arg13[%get3A_428] {strides = array<i32>} : memref<128xi32, #tpu.memory_space<vmem>>, vector<16xi32>,
    %gather3A_430 = tpu.vector_load_idx %arg11[%get3A_429] : memref<32768xi32, #tpu.memory_space<vmem>>[vector<16xi32>], vector<16xi32>,
    %ge3A_431 = arith.constant 0 : i32
    %ge3A_432 = vector.broadcast %ge3A_431 : i32 to vector<16xi32>
    %ge3A_433 = arith.cmpi sge, %gather3A_430, %ge3A_432 : vector<16xi32>
    %xor3A_434 = arith.constant 2147483647 : i32
    %xor3A_435 = vector.broadcast %xor3A_434 : i32 to vector<16xi32>
    %xor3A_436 = arith.xori %gather3A_430, %xor3A_435 : vector<16xi32>
    %select_n3A_437 = arith.select %ge3A_433, %gather3A_430, %xor3A_436 : vector<16xi1>, vector<16xi32>
    %bitcast_convert_type3A_438 = tpu.bitcast %select_n3A_437 : vector<16xi32> -> vector<16xf32>
    %swap3A_439 = arith.constant 112 : index
    %swap3A_440 = tpu.vector_load %arg14[%swap3A_439] {strides = array<i32>} : memref<128xf32, #tpu.memory_space<vmem>>, vector<16xf32>,
    tpu.vector_store %arg14[%swap3A_439], %bitcast_convert_type3A_438 {strides = array<i32>} : memref<128xf32, #tpu.memory_space<vmem>>, vector<16xf32>,
    %mul3A_441 = arith.constant 32768 : i32
    %mul3A_442 = arith.muli %add3A_6, %mul3A_441 : i32
    %add3A_443 = vector.broadcast %mul3A_442 : i32 to vector<16xi32>
    %add3A_444 = arith.addi %get3A_429, %add3A_443 : vector<16xi32>
    %jit3A_445 = arith.constant 0 : i32
    %jit3A_446 = arith.constant 1048575 : i32
    %max3A_447 = vector.broadcast %jit3A_445 : i32 to vector<16xi32>
    %max3A_448 = arith.maxsi %max3A_447, %add3A_444 : vector<16xi32>
    %min3A_449 = vector.broadcast %jit3A_446 : i32 to vector<16xi32>
    %min3A_450 = arith.minsi %min3A_449, %max3A_448 : vector<16xi32>
    %swap3A_451 = arith.constant 112 : index
    %swap3A_452 = tpu.vector_load %arg15[%swap3A_451] {strides = array<i32>} : memref<128xi32, #tpu.memory_space<vmem>>, vector<16xi32>,
    tpu.vector_store %arg15[%swap3A_451], %min3A_450 {strides = array<i32>} : memref<128xi32, #tpu.memory_space<vmem>>, vector<16xi32>,
    %dma_start3A = arith.constant 0 : i32
    %dma_start3A_453 = arith.constant 0 : i32
    %dma_start3A_454 = tpu.memref_slice %arg4[%dma_start3A, %dma_start3A_453] : memref<1048576x128xf32, #tpu.memory_space<hbm>> -> memref<1048576x128xf32, #tpu.memory_space<hbm>>
    tpu.enqueue_indirect_dma source(%dma_start3A_454 : memref<1048576x128xf32, #tpu.memory_space<hbm>>) target(%arg16 : memref<128x128xf32, #tpu.memory_space<vmem>>) offsets(%arg15 : memref<128xi32, #tpu.memory_space<vmem>>) semaphore(%arg17 : memref<!tpu.dma_semaphore, #tpu.memory_space<semaphore_mem>>)
    %dma_wait3A = arith.constant 0 : i32
    %dma_wait3A_455 = arith.constant 0 : i32
    %dma_wait3A_456 = tpu.memref_slice %arg4[%dma_wait3A, %dma_wait3A_455] : memref<1048576x128xf32, #tpu.memory_space<hbm>> -> memref<1048576x128xf32, #tpu.memory_space<hbm>>
    tpu.wait_indirect_dma semaphore(%arg17 : memref<!tpu.dma_semaphore, #tpu.memory_space<semaphore_mem>>) src(%dma_wait3A_456 : memref<1048576x128xf32, #tpu.memory_space<hbm>>) dst(%arg16 : memref<128x128xf32, #tpu.memory_space<vmem>>)
    %mul3A_457 = arith.constant 128 : i32
    %mul3A_458 = arith.muli %add3A_6, %mul3A_457 : i32
    "tpu.region"() ({
      %run_scoped3A = tpu.sem_alloc : memref<!tpu.dma_semaphore, #tpu.memory_space<semaphore_mem>>
      %dma_start3A_463 = tpu.memref_slice %arg6[%mul3A_458] : memref<4096xf32, #tpu.memory_space<hbm>> -> memref<128xf32, #tpu.memory_space<hbm>>
      %dma_start3A_464 = tpu.memref_slice %arg6[%mul3A_458] : memref<4096xf32, #tpu.memory_space<hbm>> -> memref<128xf32, #tpu.memory_space<hbm>>
      tpu.enqueue_dma source(%arg14 : memref<128xf32, #tpu.memory_space<vmem>>) target(%dma_start3A_464 : memref<128xf32, #tpu.memory_space<hbm>>) target_semaphore(%run_scoped3A : memref<!tpu.dma_semaphore, #tpu.memory_space<semaphore_mem>>)
      %dma_wait3A_465 = tpu.memref_slice %arg6[%mul3A_458] : memref<4096xf32, #tpu.memory_space<hbm>> -> memref<128xf32, #tpu.memory_space<hbm>>
      %dma_wait3A_466 = tpu.memref_slice %arg6[%mul3A_458] : memref<4096xf32, #tpu.memory_space<hbm>> -> memref<128xf32, #tpu.memory_space<hbm>>
      tpu.wait_dma2 semaphore(%run_scoped3A : memref<!tpu.dma_semaphore, #tpu.memory_space<semaphore_mem>>) src(%arg14 : memref<128xf32, #tpu.memory_space<vmem>>) dst(%dma_wait3A_466 : memref<128xf32, #tpu.memory_space<hbm>>)
      tpu.yield
    }) : () -> ()
    %mul3A_459 = arith.constant 128 : i32
    %mul3A_460 = arith.muli %add3A_6, %mul3A_459 : i32
    "tpu.region"() ({
      %run_scoped3A = tpu.sem_alloc : memref<!tpu.dma_semaphore, #tpu.memory_space<semaphore_mem>>
      %dma_start3A_463 = tpu.memref_slice %arg7[%mul3A_460] : memref<4096xi32, #tpu.memory_space<hbm>> -> memref<128xi32, #tpu.memory_space<hbm>>
      %dma_start3A_464 = tpu.memref_slice %arg7[%mul3A_460] : memref<4096xi32, #tpu.memory_space<hbm>> -> memref<128xi32, #tpu.memory_space<hbm>>
      tpu.enqueue_dma source(%arg13 : memref<128xi32, #tpu.memory_space<vmem>>) target(%dma_start3A_464 : memref<128xi32, #tpu.memory_space<hbm>>) target_semaphore(%run_scoped3A : memref<!tpu.dma_semaphore, #tpu.memory_space<semaphore_mem>>)
      %dma_wait3A_465 = tpu.memref_slice %arg7[%mul3A_460] : memref<4096xi32, #tpu.memory_space<hbm>> -> memref<128xi32, #tpu.memory_space<hbm>>
      %dma_wait3A_466 = tpu.memref_slice %arg7[%mul3A_460] : memref<4096xi32, #tpu.memory_space<hbm>> -> memref<128xi32, #tpu.memory_space<hbm>>
      tpu.wait_dma2 semaphore(%run_scoped3A : memref<!tpu.dma_semaphore, #tpu.memory_space<semaphore_mem>>) src(%arg13 : memref<128xi32, #tpu.memory_space<vmem>>) dst(%dma_wait3A_466 : memref<128xi32, #tpu.memory_space<hbm>>)
      tpu.yield
    }) : () -> ()
    %mul3A_461 = arith.constant 128 : i32
    %mul3A_462 = arith.muli %add3A_6, %mul3A_461 : i32
    "tpu.region"() ({
      %run_scoped3A = tpu.sem_alloc : memref<!tpu.dma_semaphore, #tpu.memory_space<semaphore_mem>>
      %dma_start3A_463 = arith.constant 0 : i32
      %dma_start3A_464 = tpu.memref_slice %arg8[%mul3A_462, %dma_start3A_463] : memref<4096x128xf32, #tpu.memory_space<hbm>> -> memref<128x128xf32, #tpu.memory_space<hbm>>
      %dma_start3A_465 = arith.constant 0 : i32
      %dma_start3A_466 = tpu.memref_slice %arg8[%mul3A_462, %dma_start3A_465] : memref<4096x128xf32, #tpu.memory_space<hbm>> -> memref<128x128xf32, #tpu.memory_space<hbm>>
      tpu.enqueue_dma source(%arg16 : memref<128x128xf32, #tpu.memory_space<vmem>>) target(%dma_start3A_466 : memref<128x128xf32, #tpu.memory_space<hbm>>) target_semaphore(%run_scoped3A : memref<!tpu.dma_semaphore, #tpu.memory_space<semaphore_mem>>)
      %dma_wait3A_467 = arith.constant 0 : i32
      %dma_wait3A_468 = tpu.memref_slice %arg8[%mul3A_462, %dma_wait3A_467] : memref<4096x128xf32, #tpu.memory_space<hbm>> -> memref<128x128xf32, #tpu.memory_space<hbm>>
      %dma_wait3A_469 = arith.constant 0 : i32
      %dma_wait3A_470 = tpu.memref_slice %arg8[%mul3A_462, %dma_wait3A_469] : memref<4096x128xf32, #tpu.memory_space<hbm>> -> memref<128x128xf32, #tpu.memory_space<hbm>>
      tpu.wait_dma2 semaphore(%run_scoped3A : memref<!tpu.dma_semaphore, #tpu.memory_space<semaphore_mem>>) src(%arg16 : memref<128x128xf32, #tpu.memory_space<vmem>>) dst(%dma_wait3A_470 : memref<128x128xf32, #tpu.memory_space<hbm>>)
      tpu.yield
    }) : () -> ()
    return
  }
}

module attributes {stable_mosaic.version = 14 : i64} {
  func.func @_scores_body(%arg0: i32, %arg1: i32, %arg2: memref<1x8192x128xf32, #tpu.memory_space<vmem>>, %arg3: memref<1x1x128xf32, #tpu.memory_space<vmem>>, %arg4: memref<1x64x128xf32, #tpu.memory_space<vmem>>) attributes {dimension_semantics = [#tpu.dimension_semantics<parallel>, #tpu.dimension_semantics<arbitrary>], iteration_bounds = array<i64: 32, 4>, scalar_prefetch = 0 : i64, scratch_operands = 0 : i64, tpu.core_type = #tpu.core_type<tc>, window_params = [{transform_indices = @transform_0, window_bounds = array<i64: 1, 8192, 128>}, {transform_indices = @transform_1, window_bounds = array<i64: 1, 1, 128>}, {transform_indices = @transform_2, window_bounds = array<i64: 1, 64, 128>}]} {
    %get3A = arith.constant 0 : index
    %get3A_0 = arith.constant 0 : index
    %get3A_1 = arith.constant 0 : index
    %get3A_2 = vector.load %arg2[%get3A, %get3A_0, %get3A_1] : memref<1x8192x128xf32, #tpu.memory_space<vmem>>, vector<1x8192x128xf32>
    %get3A_3 = vector.shape_cast %get3A_2 : vector<1x8192x128xf32> to vector<8192x128xf32>
    %get3A_4 = arith.constant 0 : index
    %get3A_5 = arith.constant 0 : index
    %get3A_6 = arith.constant 0 : index
    %get3A_7 = vector.load %arg3[%get3A_4, %get3A_5, %get3A_6] : memref<1x1x128xf32, #tpu.memory_space<vmem>>, vector<1x1x128xf32>
    %get3A_8 = vector.shape_cast %get3A_7 : vector<1x1x128xf32> to vector<128xf32>
    %mul3A = arith.mulf %get3A_8, %get3A_8 : vector<128xf32>
    %reduce_sum3A = vector.shape_cast %mul3A : vector<128xf32> to vector<1x128xf32>
    %reduce_sum3A_9 = arith.constant dense<0.000000e+00> : vector<1xf32>
    %reduce_sum3A_10 = vector.multi_reduction <add>, %reduce_sum3A, %reduce_sum3A_9 [1] : vector<1x128xf32> to vector<1xf32>
    %reduce_sum3A_11 = vector.shape_cast %reduce_sum3A_10 : vector<1xf32> to vector<1x1xf32>
    %reduce_sum3A_12 = vector.extract %reduce_sum3A_11[0, 0] : f32 from vector<1x1xf32>
    %rsqrt3A = math.rsqrt %reduce_sum3A_12 : f32
    %convert_element_type3A = arith.truncf %get3A_8 : vector<128xf32> to vector<128xbf16>
    %broadcast_in_dim3A = vector.shape_cast %convert_element_type3A : vector<128xbf16> to vector<1x128xbf16>
    %broadcast_in_dim3A_13 = vector.shape_cast %broadcast_in_dim3A : vector<1x128xbf16> to vector<1x128xbf16>
    %broadcast_in_dim3A_14 = vector.broadcast %broadcast_in_dim3A_13 : vector<1x128xbf16> to vector<8x128xbf16>
    %convert_element_type3A_15 = arith.truncf %get3A_3 : vector<8192x128xf32> to vector<8192x128xbf16>
    %dot_general3A = arith.constant dense<0.000000e+00> : vector<8x8192xf32>
    %dot_general3A_16 = tpu.matmul %broadcast_in_dim3A_14, %convert_element_type3A_15, %dot_general3A {dimension_numbers = #tpu.dot_dimension_numbers<[1], [1], [0], [0], [0, 0, 1, 0], [], []>, transpose_lhs_hint = false} : vector<8x128xbf16>, vector<8192x128xbf16>, vector<8x8192xf32> -> vector<8x8192xf32>
    %slice3A = vector.extract_strided_slice %dot_general3A_16 {offsets = [0, 0], sizes = [1, 8192], strides = [1, 1]} : vector<8x8192xf32> to vector<1x8192xf32>
    %squeeze3A = vector.shape_cast %slice3A : vector<1x8192xf32> to vector<8192xf32>
    %reshape3A = vector.shape_cast %squeeze3A : vector<8192xf32> to vector<64x128xf32>
    %mul3A_17 = vector.broadcast %rsqrt3A : f32 to vector<64x128xf32>
    %mul3A_18 = arith.mulf %reshape3A, %mul3A_17 : vector<64x128xf32>
    %swap3A = arith.constant 0 : index
    %swap3A_19 = arith.constant 0 : index
    %swap3A_20 = arith.constant 0 : index
    %swap3A_21 = vector.load %arg4[%swap3A, %swap3A_19, %swap3A_20] : memref<1x64x128xf32, #tpu.memory_space<vmem>>, vector<1x64x128xf32>
    %swap3A_22 = vector.shape_cast %swap3A_21 : vector<1x64x128xf32> to vector<64x128xf32>
    %swap3A_23 = vector.shape_cast %mul3A_18 : vector<64x128xf32> to vector<1x64x128xf32>
    tpu.vector_store %arg4[%swap3A, %swap3A_19, %swap3A_20], %swap3A_23 {strides = array<i32>} : memref<1x64x128xf32, #tpu.memory_space<vmem>>, vector<1x64x128xf32>,
    return
  }
  func.func @transform_0(%arg0: i32, %arg1: i32) -> (i32, i32, i32) {
    %c0_i32 = arith.constant 0 : i32
    %c0_i32_0 = arith.constant 0 : i32
    return %arg0, %arg1, %c0_i32 : i32, i32, i32
  }
  func.func @transform_1(%arg0: i32, %arg1: i32) -> (i32, i32, i32) {
    %c0_i32 = arith.constant 0 : i32
    %c0_i32_0 = arith.constant 0 : i32
    %c0_i32_1 = arith.constant 0 : i32
    return %arg0, %c0_i32, %c0_i32_0 : i32, i32, i32
  }
  func.func @transform_2(%arg0: i32, %arg1: i32) -> (i32, i32, i32) {
    %c0_i32 = arith.constant 0 : i32
    %c0_i32_0 = arith.constant 0 : i32
    return %arg0, %arg1, %c0_i32 : i32, i32, i32
  }
}

module attributes {stable_mosaic.version = 14 : i64} {
  func.func @_scorer_body(%arg0: memref<32x1024xf32, #tpu.memory_space<vmem>>, %arg1: memref<1024x128xf32, #tpu.memory_space<vmem>>, %arg2: memref<128xf32, #tpu.memory_space<vmem>>, %arg3: memref<32x128xf32, #tpu.memory_space<vmem>>) attributes {dimension_semantics = [], scalar_prefetch = 0 : i64, scratch_operands = 0 : i64, tpu.core_type = #tpu.core_type<tc>} {
    %get3A = arith.constant 0 : index
    %get3A_0 = arith.constant 0 : index
    %get3A_1 = vector.load %arg0[%get3A, %get3A_0] : memref<32x1024xf32, #tpu.memory_space<vmem>>, vector<32x1024xf32>
    %convert_element_type3A = arith.truncf %get3A_1 : vector<32x1024xf32> to vector<32x1024xbf16>
    %get3A_2 = arith.constant 0 : index
    %get3A_3 = arith.constant 0 : index
    %get3A_4 = vector.load %arg1[%get3A_2, %get3A_3] : memref<1024x128xf32, #tpu.memory_space<vmem>>, vector<1024x128xf32>
    %convert_element_type3A_5 = arith.truncf %get3A_4 : vector<1024x128xf32> to vector<1024x128xbf16>
    %dot_general3A = arith.constant dense<0.000000e+00> : vector<32x128xf32>
    %dot_general3A_6 = tpu.matmul %convert_element_type3A, %convert_element_type3A_5, %dot_general3A {dimension_numbers = #tpu.dot_dimension_numbers<[1], [0], [0], [1], [0, 0, 1, 1], [], []>, transpose_lhs_hint = false} : vector<32x1024xbf16>, vector<1024x128xbf16>, vector<32x128xf32> -> vector<32x128xf32>
    %get3A_7 = arith.constant 0 : index
    %get3A_8 = vector.load %arg2[%get3A_7] : memref<128xf32, #tpu.memory_space<vmem>>, vector<128xf32>
    %broadcast_in_dim3A = vector.shape_cast %get3A_8 : vector<128xf32> to vector<1x128xf32>
    %add3A = vector.broadcast %broadcast_in_dim3A : vector<1x128xf32> to vector<32x128xf32>
    %add3A_9 = arith.addf %dot_general3A_6, %add3A : vector<32x128xf32>
    %tanh3A = math.tanh %add3A_9 : vector<32x128xf32>
    %swap3A = arith.constant 0 : index
    %swap3A_10 = arith.constant 0 : index
    %swap3A_11 = vector.load %arg3[%swap3A, %swap3A_10] : memref<32x128xf32, #tpu.memory_space<vmem>>, vector<32x128xf32>
    tpu.vector_store %arg3[%swap3A, %swap3A_10], %tanh3A {strides = array<i32>} : memref<32x128xf32, #tpu.memory_space<vmem>>, vector<32x128xf32>,
    return
  }
}

module attributes {stable_mosaic.version = 14 : i64} {
  func.func @_final_body(%arg0: i32, %arg1: memref<1x8x4096xf32, #tpu.memory_space<vmem>>, %arg2: memref<1x128x128xf32, #tpu.memory_space<vmem>>, %arg3: memref<32x128xf32, #tpu.memory_space<vmem>>, %arg4: memref<32x128xi32, #tpu.memory_space<vmem>>, %arg5: memref<1x128x128xf32, #tpu.memory_space<vmem>>, %arg6: memref<32x128xf32, #tpu.memory_space<vmem>>) attributes {dimension_semantics = [#tpu.dimension_semantics<arbitrary>], iteration_bounds = array<i64: 32>, scalar_prefetch = 0 : i64, scratch_operands = 0 : i64, tpu.core_type = #tpu.core_type<tc>, window_params = [{transform_indices = @transform_0, window_bounds = array<i64: 1, 8, 4096>}, {transform_indices = @transform_1, window_bounds = array<i64: 1, 128, 128>}, {pipeline_mode = #tpu.pipeline_mode<synchronous>, transform_indices = @transform_2, window_bounds = array<i64: 32, 128>}, {pipeline_mode = #tpu.pipeline_mode<synchronous>, transform_indices = @transform_3, window_bounds = array<i64: 32, 128>}, {transform_indices = @transform_4, window_bounds = array<i64: 1, 128, 128>}, {pipeline_mode = #tpu.pipeline_mode<synchronous>, transform_indices = @transform_5, window_bounds = array<i64: 32, 128>}]} {
    %get3A = arith.constant 0 : index
    %get3A_0 = arith.constant 0 : index
    %get3A_1 = arith.constant 0 : index
    %get3A_2 = vector.load %arg1[%get3A, %get3A_0, %get3A_1] : memref<1x8x4096xf32, #tpu.memory_space<vmem>>, vector<1x8x4096xf32>
    %get3A_3 = vector.shape_cast %get3A_2 : vector<1x8x4096xf32> to vector<8x4096xf32>
    %reduce_max3A = vector.shape_cast %get3A_3 : vector<8x4096xf32> to vector<1x8x4096xf32>
    %reduce_max3A_4 = arith.constant dense<0xFF800000> : vector<1xf32>
    %reduce_max3A_5 = vector.multi_reduction <maximumf>, %reduce_max3A, %reduce_max3A_4 [1, 2] : vector<1x8x4096xf32> to vector<1xf32>
    %reduce_max3A_6 = vector.shape_cast %reduce_max3A_5 : vector<1xf32> to vector<1x1x1xf32>
    %reduce_max3A_7 = vector.extract %reduce_max3A_6[0, 0, 0] : f32 from vector<1x1x1xf32>
    %sub3A = vector.broadcast %reduce_max3A_7 : f32 to vector<8x4096xf32>
    %sub3A_8 = arith.subf %get3A_3, %sub3A : vector<8x4096xf32>
    %exp3A = math.exp %sub3A_8 : vector<8x4096xf32>
    %reduce_sum3A = vector.shape_cast %exp3A : vector<8x4096xf32> to vector<1x8x4096xf32>
    %reduce_sum3A_9 = arith.constant dense<0.000000e+00> : vector<1xf32>
    %reduce_sum3A_10 = vector.multi_reduction <add>, %reduce_sum3A, %reduce_sum3A_9 [1, 2] : vector<1x8x4096xf32> to vector<1xf32>
    %reduce_sum3A_11 = vector.shape_cast %reduce_sum3A_10 : vector<1xf32> to vector<1x1x1xf32>
    %reduce_sum3A_12 = vector.extract %reduce_sum3A_11[0, 0, 0] : f32 from vector<1x1x1xf32>
    %log3A = math.log %reduce_sum3A_12 : f32
    %add3A = arith.addf %reduce_max3A_7, %log3A : f32
    %get3A_13 = arith.index_cast %arg0 : i32 to index
    %get3A_14 = arith.constant 0 : index
    %get3A_15 = vector.load %arg3[%get3A_13, %get3A_14] : memref<32x128xf32, #tpu.memory_space<vmem>>, vector<1x128xf32>
    %get3A_16 = arith.index_cast %arg0 : i32 to index
    %get3A_17 = arith.constant 0 : index
    %get3A_18 = vector.load %arg4[%get3A_16, %get3A_17] : memref<32x128xi32, #tpu.memory_space<vmem>>, vector<1x128xi32>
    %squeeze3A = vector.shape_cast %get3A_15 : vector<1x128xf32> to vector<128xf32>
    %broadcast_in_dim3A = vector.shape_cast %squeeze3A : vector<128xf32> to vector<128x1xf32>
    %squeeze3A_19 = vector.shape_cast %get3A_18 : vector<1x128xi32> to vector<128xi32>
    %broadcast_in_dim3A_20 = vector.shape_cast %squeeze3A_19 : vector<128xi32> to vector<128x1xi32>
    %gt3A = vector.broadcast %get3A_15 : vector<1x128xf32> to vector<128x128xf32>
    %gt3A_21 = vector.broadcast %broadcast_in_dim3A : vector<128x1xf32> to vector<128x128xf32>
    %gt3A_22 = arith.cmpf ogt, %gt3A, %gt3A_21 : vector<128x128xf32>
    %eq3A = vector.broadcast %get3A_15 : vector<1x128xf32> to vector<128x128xf32>
    %eq3A_23 = vector.broadcast %broadcast_in_dim3A : vector<128x1xf32> to vector<128x128xf32>
    %eq3A_24 = arith.cmpf oeq, %eq3A, %eq3A_23 : vector<128x128xf32>
    %lt3A = vector.broadcast %get3A_18 : vector<1x128xi32> to vector<128x128xi32>
    %lt3A_25 = vector.broadcast %broadcast_in_dim3A_20 : vector<128x1xi32> to vector<128x128xi32>
    %lt3A_26 = arith.cmpi slt, %lt3A, %lt3A_25 : vector<128x128xi32>
    %and3A = arith.andi %eq3A_24, %lt3A_26 : vector<128x128xi1>
    %or3A = arith.ori %gt3A_22, %and3A : vector<128x128xi1>
    %convert_element_type3A = arith.extui %or3A : vector<128x128xi1> to vector<128x128xi32>
    %reduce_sum3A_27 = arith.constant dense<0> : vector<128xi32>
    %reduce_sum3A_28 = vector.multi_reduction <add>, %convert_element_type3A, %reduce_sum3A_27 [1] : vector<128x128xi32> to vector<128xi32>
    %broadcast_in_dim3A_29 = vector.shape_cast %reduce_sum3A_28 : vector<128xi32> to vector<128x1xi32>
    %iota3A = tpu.iota {dimensions = array<i32: 1>} : vector<1x128xi32>
    %eq3A_30 = vector.broadcast %broadcast_in_dim3A_29 : vector<128x1xi32> to vector<128x128xi32>
    %eq3A_31 = vector.broadcast %iota3A : vector<1x128xi32> to vector<128x128xi32>
    %eq3A_32 = arith.cmpi eq, %eq3A_30, %eq3A_31 : vector<128x128xi32>
    %convert_element_type3A_33 = arith.extui %eq3A_32 : vector<128x128xi1> to vector<128x128xi32>
    %convert_element_type3A_34 = arith.sitofp %convert_element_type3A_33 : vector<128x128xi32> to vector<128x128xf32>
    %tanh3A = math.tanh %broadcast_in_dim3A : vector<128x1xf32>
    %get3A_35 = arith.constant 0 : index
    %get3A_36 = arith.constant 0 : index
    %get3A_37 = arith.constant 0 : index
    %get3A_38 = vector.load %arg2[%get3A_35, %get3A_36, %get3A_37] : memref<1x128x128xf32, #tpu.memory_space<vmem>>, vector<1x128x128xf32>
    %get3A_39 = vector.shape_cast %get3A_38 : vector<1x128x128xf32> to vector<128x128xf32>
    %mul3A = vector.broadcast %tanh3A : vector<128x1xf32> to vector<128x128xf32>
    %mul3A_40 = arith.mulf %get3A_39, %mul3A : vector<128x128xf32>
    %dot_general3A = arith.constant dense<0.000000e+00> : vector<128x128xf32>
    %dot_general3A_41 = tpu.matmul %mul3A_40, %convert_element_type3A_34, %dot_general3A {dimension_numbers = #tpu.dot_dimension_numbers<[0], [0], [1], [1], [0, 1, 1, 1], [], []>, precision = #tpu.contract_precision<fp32>, transpose_lhs_hint = false} : vector<128x128xf32>, vector<128x128xf32>, vector<128x128xf32> -> vector<128x128xf32>
    %swap3A = arith.constant 0 : index
    %swap3A_42 = arith.constant 0 : index
    %swap3A_43 = arith.constant 0 : index
    %swap3A_44 = vector.load %arg5[%swap3A, %swap3A_42, %swap3A_43] : memref<1x128x128xf32, #tpu.memory_space<vmem>>, vector<1x128x128xf32>
    %swap3A_45 = vector.shape_cast %swap3A_44 : vector<1x128x128xf32> to vector<128x128xf32>
    %swap3A_46 = vector.shape_cast %dot_general3A_41 : vector<128x128xf32> to vector<1x128x128xf32>
    tpu.vector_store %arg5[%swap3A, %swap3A_42, %swap3A_43], %swap3A_46 {strides = array<i32>} : memref<1x128x128xf32, #tpu.memory_space<vmem>>, vector<1x128x128xf32>,
    %squeeze3A_47 = vector.shape_cast %get3A_15 : vector<1x128xf32> to vector<128xf32>
    %reduce_sum3A_48 = vector.shape_cast %squeeze3A_47 : vector<128xf32> to vector<1x128xf32>
    %reduce_sum3A_49 = arith.constant dense<0.000000e+00> : vector<1xf32>
    %reduce_sum3A_50 = vector.multi_reduction <add>, %reduce_sum3A_48, %reduce_sum3A_49 [1] : vector<1x128xf32> to vector<1xf32>
    %reduce_sum3A_51 = vector.shape_cast %reduce_sum3A_50 : vector<1xf32> to vector<1x1xf32>
    %reduce_sum3A_52 = vector.extract %reduce_sum3A_51[0, 0] : f32 from vector<1x1xf32>
    %div3A = arith.constant 1.280000e+02 : f32
    %div3A_53 = arith.divf %reduce_sum3A_52, %div3A : f32
    %sub3A_54 = arith.subf %div3A_53, %add3A : f32
    %broadcast_in_dim3A_55 = vector.broadcast %sub3A_54 : f32 to vector<1x128xf32>
    %swap3A_56 = arith.index_cast %arg0 : i32 to index
    %swap3A_57 = arith.constant 0 : index
    %swap3A_58 = vector.load %arg6[%swap3A_56, %swap3A_57] : memref<32x128xf32, #tpu.memory_space<vmem>>, vector<1x128xf32>
    tpu.vector_store %arg6[%swap3A_56, %swap3A_57], %broadcast_in_dim3A_55 {strides = array<i32>} : memref<32x128xf32, #tpu.memory_space<vmem>>, vector<1x128xf32>,
    return
  }
  func.func @transform_0(%arg0: i32) -> (i32, i32, i32) {
    %c0_i32 = arith.constant 0 : i32
    %c0_i32_0 = arith.constant 0 : i32
    %c0_i32_1 = arith.constant 0 : i32
    return %arg0, %c0_i32, %c0_i32_0 : i32, i32, i32
  }
  func.func @transform_1(%arg0: i32) -> (i32, i32, i32) {
    %c0_i32 = arith.constant 0 : i32
    %c0_i32_0 = arith.constant 0 : i32
    %c0_i32_1 = arith.constant 0 : i32
    return %arg0, %c0_i32, %c0_i32_0 : i32, i32, i32
  }
  func.func @transform_2(%arg0: i32) -> (i32, i32) {
    %c0_i32 = arith.constant 0 : i32
    %c0_i32_0 = arith.constant 0 : i32
    %c0_i32_1 = arith.constant 0 : i32
    return %c0_i32, %c0_i32_0 : i32, i32
  }
  func.func @transform_3(%arg0: i32) -> (i32, i32) {
    %c0_i32 = arith.constant 0 : i32
    %c0_i32_0 = arith.constant 0 : i32
    %c0_i32_1 = arith.constant 0 : i32
    return %c0_i32, %c0_i32_0 : i32, i32
  }
  func.func @transform_4(%arg0: i32) -> (i32, i32, i32) {
    %c0_i32 = arith.constant 0 : i32
    %c0_i32_0 = arith.constant 0 : i32
    %c0_i32_1 = arith.constant 0 : i32
    return %arg0, %c0_i32, %c0_i32_0 : i32, i32, i32
  }
  func.func @transform_5(%arg0: i32) -> (i32, i32) {
    %c0_i32 = arith.constant 0 : i32
    %c0_i32_0 = arith.constant 0 : i32
    %c0_i32_1 = arith.constant 0 : i32
    return %c0_i32, %c0_i32_0 : i32, i32
  }
}

</mosaic_0001>

<sc_bundles>
// kernel: kernel.6.cloned.1.call-start
scs
__scs_entry_jumppad:
0x0: {  	(pc) =	sbr.rel $0x88, $3  }
0x1: {  	(tag) =	ssettag $0x0;
	lr =	simm.s32 $0x1  }
0x2: {  	[smem:$0x3F9C] =	sst lr;
	_ =	strace $0xD0000000  }
0x3: {  	_ = 	snop  }
0x4: {  	_ = 	snop  }
0x5: {  	_ = 	snop  }
0x6: {  	_ = 	snop  }
0x7: {  	_ = 	snop  }
__scs_overlays_trampoline_lowered:
0x8: {  	[smem:$0x3FAB] =	sst s0  }
0x9: {  	[smem:$0x3FAC] =	sst s1  }
0xa: {  	[smem:$0x3FAD] =	sst s2  }
0xb: {  	[smem:$0x3FAE] =	sst s3  }
0xc: {  	[smem:$0x3FAF] =	sst s4  }
0xd: {  	[smem:$0x3FB0] =	sst s5  }
0xe: {  	[smem:$0x3FB1] =	sst s6  }
0xf: {  	[smem:$0x3FB2] =	sst s7  }
0x10: {  	[smem:$0x3FB3] =	sst s8  }
0x11: {  	[smem:$0x3FB4] =	sst s9;
	s0 =	simm.s32 @!p0 $0x0  }
0x12: {  	s1 =	sld [smem:$0x3F9A];
	s0 =	simm.s32 @p0 $0x1  }
0x13: {  	[smem:$0x3FB5] =	sst s0;
	s0 =	simm.s32 @!p1 $0x0  }
0x14: {  	s2 =	sld [smem:$0x3F99];
	s0 =	simm.s32 @p1 $0x1  }
0x15: {  	[smem:$0x3FB6] =	sst s0;
	s0 =	simm.s32 @!p2 $0x0  }
0x16: {  	s3 =	sld [smem:$0x3FDB];
	s0 =	simm.s32 @p2 $0x1  }
0x17: {  	s4 =	simm.s32 $0x1BF5;
	[smem:$0x3FB8] =	sst s0  }
0x18: {  	s0 =	sld [smem:$0x3F9B];
	_ =	swait.ge [sflag:s4], $0x0  }
0x19: {  	s7 =	sld [smem:$0x3F9C]  }
0x1a: {  	s8 =	sadd.s32 $0xFFFFE003, lr  }
0x1b: {  	s9 =	sadd.s32 $0xFFFFFEF7, lr;
	s5 =	simm.s32 $0xFFFFFFFF;
	p2 =	slt.u32 s8, $0xFFFFF086  }
0x1c: {  	p1 =	slt.u32 s9, $0xF7A;
	s5 =	simm.s32 @!p2 $0x0  }
0x1d: {  	s5 =	simm.s32 @p1 $0x1;
	p0 =	seq.s32 s7, s2  }
0x1e: {  	s7 =	smul.u32 @!p0 $0xF7A, s2;
	p2 =	seq.s32 @!p0 s5, $0x0  }
0x1f: {  	s9 =	smul.u32 $0xF7A, s1;
	s8 =	simm.s32 @!p0 $0x1BF5;
	p2 =	por !p2, p0  }
0x20: {  	[sflag:s8] =	ssyncset.s32 @!p0 $0xFFFFF086;
	s6 =	sadd.s32 @!p0 s3, s7;
	s7 =	simm.s32 @!p0 $0x108  }
0x21: {  	s3 =	sadd.s32 s3, s9;
	s6 =	sadd.s32 @!p0 $0x88, s6;
	s7 =	simm.s32 @p2 $0x1082  }
0x22: {  	[simem:s7], [sflag:s8] =	dma.local @!p0 [hbm:s6], $0xF7A  }
0x23: {  	s9 =	sor.u32 $0xD0000000, s2;
	s6 =	simm.s32 $0x108;
	_ =	swait.ge @!p0 [sflag:s8], $0x0  }
0x24: {  	s3 =	sadd.s32 $0x88, s3;
	s6 =	simm.s32 @!p1 $0x1082;
	[sflag:s4] =	ssyncset.s32 $0xFFFFF086  }
0x25: {  	[simem:s6], [sflag:s4] =	dma.local [hbm:s3], $0xF7A  }
0x26: {  	[smem:$0x3F9C] =	sst s1;
	(tag) =	ssettag s2;
	_ =	strace s9  }
0x27: {  	s1 =	sld [smem:$0x3FAC]  }
0x28: {  	s2 =	sld [smem:$0x3FAD]  }
0x29: {  	s4 =	sld [smem:$0x3FAF]  }
0x2a: {  	p0 =	seq.s32 s5, $0x0;
	s5 =	sld [smem:$0x3FB0]  }
0x2b: {  	s6 =	sld [smem:$0x3FB1]  }
0x2c: {  	s7 =	sld [smem:$0x3FB2]  }
0x2d: {  	s3 =	simm.s32 $0x108;
	s8 =	sld [smem:$0x3FB3]  }
0x2e: {  	s3 =	simm.s32 @!p0 $0x1082;
	s9 =	sld [smem:$0x3FB4]  }
0x2f: {  	lr =	sadd.s32 s0, s3;
	s0 =	sld [smem:$0x3FAB]  }
0x30: {  	s3 =	sld [smem:$0x3FAE]  }
0x31: {  	[smem:$0x3FB7] =	sst s10  }
0x32: {  	s10 =	sld [smem:$0x3FB5];
	_ =	sdelay $0x3  }
0x33: {  	p0 =	seq.s32 s10, $0x1;
	s10 =	sld [smem:$0x3FB7];
	_ =	sdelay $0x3  }
0x34: {  	[smem:$0x3FB7] =	sst s10  }
0x35: {  	s10 =	sld [smem:$0x3FB6];
	_ =	sdelay $0x3  }
0x36: {  	p1 =	seq.s32 s10, $0x1;
	s10 =	sld [smem:$0x3FB7];
	_ =	sdelay $0x3  }
0x37: {  	[smem:$0x3FB7] =	sst s10  }
0x38: {  	s10 =	sld [smem:$0x3FB8]  }
0x39: {  	_ = 	snop;
	(pc) =	sbr.ind lr, $3  }
0x3a: {  	_ = 	snop  }
0x3b: {  	_ = 	snop  }
0x3c: {  	p2 =	seq.s32 s10, $0x1;
	s10 =	sld [smem:$0x3FB7]  }
0x3d: {  	_ =	shalt  }
0x3e: {  	_ =	shalt  }
0x3f: {  	_ =	shalt  }
0x40: {  	_ =	shalt  }
0x41: {  	_ =	shalt  }
0x42: {  	_ =	shalt  }
0x43: {  	_ =	shalt  }
0x44: {  	_ =	shalt  }
0x45: {  	_ =	shalt  }
0x46: {  	_ =	shalt  }
0x47: {  	_ =	shalt  }
0x48: {  	_ =	shalt  }
0x49: {  	_ =	shalt  }
0x4a: {  	_ =	shalt  }
0x4b: {  	_ =	shalt  }
0x4c: {  	_ =	shalt  }
0x4d: {  	_ =	shalt  }
0x4e: {  	_ =	shalt  }
0x4f: {  	_ =	shalt  }
0x50: {  	_ =	shalt  }
0x51: {  	_ =	shalt  }
0x52: {  	_ =	shalt  }
0x53: {  	_ =	shalt  }
0x54: {  	_ =	shalt  }
0x55: {  	_ =	shalt  }
0x56: {  	_ =	shalt  }
0x57: {  	_ =	shalt  }
0x58: {  	_ =	shalt  }
0x59: {  	_ =	shalt  }
0x5a: {  	_ =	shalt  }
0x5b: {  	_ =	shalt  }
0x5c: {  	_ =	shalt  }
0x5d: {  	_ =	shalt  }
0x5e: {  	_ =	shalt  }
0x5f: {  	_ =	shalt  }
0x60: {  	_ =	shalt  }
0x61: {  	_ =	shalt  }
0x62: {  	_ =	shalt  }
0x63: {  	_ =	shalt  }
0x64: {  	_ =	shalt  }
0x65: {  	_ =	shalt  }
0x66: {  	_ =	shalt  }
0x67: {  	_ =	shalt  }
0x68: {  	_ =	shalt  }
0x69: {  	_ =	shalt  }
0x6a: {  	_ =	shalt  }
0x6b: {  	_ =	shalt  }
0x6c: {  	_ =	shalt  }
0x6d: {  	_ =	shalt  }
0x6e: {  	_ =	shalt  }
0x6f: {  	_ =	shalt  }
0x70: {  	_ =	shalt  }
0x71: {  	_ =	shalt  }
0x72: {  	_ =	shalt  }
0x73: {  	_ =	shalt  }
0x74: {  	_ =	shalt  }
0x75: {  	_ =	shalt  }
0x76: {  	_ =	shalt  }
0x77: {  	_ =	shalt  }
0x78: {  	_ =	shalt  }
0x79: {  	_ =	shalt  }
0x7a: {  	_ =	shalt  }
0x7b: {  	_ =	shalt  }
0x7c: {  	_ =	shalt  }
0x7d: {  	_ =	shalt  }
0x7e: {  	_ =	shalt  }
0x7f: {  	_ =	shalt  }
0x80: {  	_ =	shalt  }
0x81: {  	_ =	shalt  }
0x82: {  	_ =	shalt  }
0x83: {  	_ =	shalt  }
0x84: {  	_ =	shalt  }
0x85: {  	_ =	shalt  }
0x86: {  	_ =	shalt  }
0x87: {  	_ =	shalt  }
.Lfunc_end0:
.L_simem_size_0:
called_computation_lowered:
.L_overlay_start_0:
0x88: {  	s2 =	sld [smem:$0x3FD9]  }
0x89: {  	s3 =	sld [smem:$0x3FFE];
	_ =	sdelay $0x1  }
0x8a: {  	s1 =	srdreg.scid  }
0x8b: {  	s0 =	sand.u32 $0x1, s1  }
0x8c: {  	s14 =	sshll.u32 s0, $0xA;
	s2 =	sadd.s32 s3, s2  }
0x8d: {  	s2 =	sadd.s32 s2, s14  }
0x8e: {  	[smem:$0x3FC3] =	sst s2  }
0x8f: {  	_ = 	snop  }
0x90: {  	s2 =	sld [smem:$0x3FD0];
	_ =	sdelay $0x2  }
0x91: {  	s4 =	simm.s32 $0xA;
	s5 =	simm.s32 $0x10;
	s15 =	sld [smem:$0x3FC9]  }
0x92: {  	[smem:s5], [sflag:s4] =	dma.local [hbm:s2], $0x1  }
0x93: {  	_ =	swait.eq [sflag:s4], $0x1  }
0x94: {  	[sflag:s4] =	ssyncset.done $0x0  }
0x95: {  	[sflag:s4] =	ssyncadd.s32 $0xFFFFFFFF  }
0x96: {  	s16 =	sld [smem:$0x10];
	(tm) =	ssettm $0x1  }
0x97: {  	s17 =	sld [smem:$0x3FFB];
	_ =	sdelay $0x3  }
0x98: {  	_ =	strace s17  }
0x99: {  	s4 =	sld [smem:$0x3FFC];
	_ =	sdelay $0x3  }
0x9a: {  	_ =	strace s4  }
0x9b: {  	s4 =	sld [smem:$0x3FFD];
	_ =	sdelay $0x3  }
0x9c: {  	_ =	strace s4  }
0x9d: {  	_ =	strace $0x8FFFFFFF  }
0x9e: {  	s18 =	sld [smem:$0x3FDB];
	_ =	sdelay $0x1  }
0x9f: {  	s19 =	simm.s32 $_scs_section_size  }
0xa0: {  	s6 =	simm.s32 $_size__tile_overlayer_lowered;
	s7 =	simm.s32 $_tile_overlayer_lowered  }
0xa1: {  	s22 =	simm.s32 $0x1BFF;
	s21 =	sshll.u32 s7, $0x1;
	s4 =	sadd.s32 s19, s18  }
0xa2: {  	s8 =	simm.s32 $0x0;
	s20 =	sshll.u32 s6, $0x1;
	s6 =	sadd.s32 s21, s4  }
0xa3: {  	[timem:s8], [sflag:s22] =	dma.local [hbm:s6], s20  }
0xa4: {  	_ =	swait.ge [sflag:s22], s20  }
0xa5: {  	s5 =	ssub.s32 $0x0, s20;
	[sflag:s22] =	ssyncset.done $0x0  }
0xa6: {  	[sflag:s22] =	ssyncadd.s32 s5;
	_ =	sdelay $0x1  }
0xa7: {  	s23 =	simm.s32 $0x1B8B  }
0xa8: {  	_ =	swait.ge [sflag:s23], $0x1  }
0xa9: {  	[sflag:s23] =	ssyncset.done $0x0  }
0xaa: {  	s25 =	simm.s32 $0x1B8E;
	s24 =	sld [smem:$0x3FFE];
	[sflag:s23] =	ssyncadd.s32 $0xFFFFFFFF  }
0xab: {  	s26 =	simm.s32 $execute0_lowered;
	[smem:$0x3FD2] =	sst s25  }
0xac: {  	s6 =	sshll.u32 s26, $0x1;
	_ =	strace $0x80000046;
	[dreg:$0x1] =	wrdreg $0xFFFFFFFF  }
0xad: {  	s28 =	simm.s32 $_size_execute0_lowered;
	s4 =	sadd.s32 s4, s6;
	[dreg:$0x0] =	wrdreg $0x0  }
0xae: {  	s6 =	sshll.u32 s28, $0x1;
	[dreg:$0x2] =	wrdreg s4  }
0xaf: {  	[dreg:$0x3] =	wrdreg s6  }
0xb0: {  	[dreg:$0x4] =	wrdreg $0xC0  }
0xb1: {  	_ =	task [dreg:s8], $0x5FFFF  }
0xb2: {  	[dreg:$0x1] =	wrdreg $0xFFFFFFFF  }
0xb3: {  	[dreg:$0x0] =	wrdreg $0x60  }
0xb4: {  	[dreg:$0x2] =	wrdreg s24  }
0xb5: {  	[dreg:$0x3] =	wrdreg s15  }
0xb6: {  	[dreg:$0x4] =	wrdreg s16  }
0xb7: {  	[dreg:$0x5] =	wrdreg $0x9  }
0xb8: {  	_ =	task.clear_ibuf [dreg:s8], $0x6FFFF;
	_ =	strace $0x90000046  }
0xb9: {  	s29 =	simm.s32 $0x9;
	_ =	strace $0x80000048  }
0xba: {  	_ =	swait.ge [sflag:s29], $0x1  }
0xbb: {  	[sflag:s29] =	ssyncadd.s32 $0xFFFFFFFF  }
0xbc: {  	_ =	strace $0x90000048  }
0xbd: {  	_ =	sfence  }
0xbe: {  	s30 =	sld [smem:$0x0];
	_ =	sdelay $0x2  }
0xbf: {  	s31 =	sshll.u32 s1, $0xD;
	s1 =	sshrl.u32 s1, $0x2  }
0xc0: {  	s3 =	sand.u32 $0x4000, s31;
	s1 =	sadd.s32 s1, s30  }
0xc1: {  	s0 =	sor.u32 s3, s0;
	s1 =	sshll.u32 s1, $0x11  }
0xc2: {  	s0 =	sor.u32 s1, s0  }
0xc3: {  	s0 =	sadd.s32 $0x8F2B, s0  }
0xc4: {  	[sflag:s0] =	ssyncadd.remote.s32 $0x1  }
0xc5: {  	_ =	sfence.sel $0xFFFF  }
0xc6: {  	[dreg:$0x0] =	wrdreg $0xFFFFFFFF;
	(pc) =	sbr.abs _section_cstart, $3  }
0xc7: {  	[dreg:$0x1] =	wrdreg $0xFFFFFFFF  }
0xc8: {  	_ =	task.clear_ibuf [dreg:s8], $0x2FFFF;
	_ =	strace $0x9FFFFFFF  }
0xc9: {  	(tm) =	ssettm $0x7FFFFFFF  }
tec
execute0_lowered:
.L_overlay_start_1:
0x0: {  	(tag) =	ssettag $0x1  }
0x1: {  	s0 =	rddreg [dreg:$0x0]  }
0x2: {  	s1 =	rddreg [dreg:$0x2];
	s3 =	simm.s32 $0x0  }
0x3: {  	s2 =	srdreg.scid;
	s4 =	stileid.u32;
	s11 =	simm.s32 $0x2  }
0x4: {  	s12 =	simm.s32 $0x8000;
	s13 =	simm.s32 $0x18000;
	s14 =	simm.s32 $0x19000  }
0x5: {  	s15 =	simm.s32 $0x1;
	s2 =	sand.u32 $0x1, s2;
	s4 =	sshll.u32 s4, $0x1  }
0x6: {  	s21 =	simm.s32 $0x0;
	[smem:$0x7FF] =	sst s3;
	s4 =	sor.u32 s2, s4  }
0x7: {  	_ =	strace $0x80000047;
	s2 =	ssub.s32 $0x2, s2;
	s5 =	sshll.u32 s4, $0xC  }
0x8: {  	s6 =	sshll.u32 s4, $0x4;
	s29 =	sshrl.u32 s2, $0x1;
	s16 =	sshll.u32 s4, $0xF  }
.Ltmp0:
0x9: {  	s4 =	sshll.u32 s4, $0xB;
	s7 =	sadd.s32 s5, s0;
	(pc) =	sbr.rel .LBB2_1-.Ltmp0, $4  }
0xa: {  	s0 =	sadd.s32 s6, s0;
	s2 =	ssub.s32 s2, s29;
	s9 =	sadd.s32 s1, s4  }
0xb: {  	v0 =	vmov s16;
	s16 =	simm.s32 $0x10000;
	s30 =	sadd.s32 $0x21400, s7;
	s31 =	sadd.s32 $0x1400, s7  }
0xc: {  	v1 =	vlaneseq.u32;
	s6 =	sadd.s32 $0x41400, s7;
	s7 =	sadd.s32 $0x61400, s0;
	[dreg:$0x4] =	wrdreg s30  }
0xd: {  	v2 =	vimm.s32 $0x0;
	v4 =	vimm.s32 $0x1;
	v3 =	vor.u32 $0x800, v1;
	s8 =	sadd.s32 $0x61600, s0;
	s10 =	smax.u32 s2, $0x1;
	[dreg:$0x5] =	wrdreg s31  }
.LBB2_45:
0xe: {  	s31 =	simm.s32 $0x0;
	s30 =	simm.s32 $0x0  }
0xf: {  	s28 =	smov.u32 s22;
	s29 =	smov.u32 s25;
	s23 =	simm.s32 $0x8000  }
.LBB2_47:
0x10: {  	_ =	sdelay $0x4  }
0x11: {  	[tilespmem:v7+s14+$0x0] =	vst.idx.msk @p1 vm0, v9;
	s0 =	sadd.s32 @p1 $0x10, s31;
	s1 =	simm.s32 $0x0  }
0x12: {  	[tilespmem:v8+s14+$0x0] =	vst.idx.msk @p1 vm1, v9;
	s1 =	smov.u32 @p1 s0  }
0x13: {  	v7 =	vld [tilespmem:s1+$0x0];
	_ =	sdelay $0x1  }
0x14: {  	s0 =	sadd.s32 @p1 $0x10, s30  }
0x15: {  	s26 =	smov.u32 @p1 s0  }
0x16: {  	v62 =	vor.u32 s26, v1  }
0x17: {  	vm12 =	vlt.s32 v62, v5;
	vm13 =	vgt.s32 v7, v6  }
0x18: {  	vm2 =	veq.s32 v7, v6;
	vm1 =	vmand vm12, vm13  }
0x19: {  	vm0 =	vmand vm12, vm2;
	v5 =	vsel vm1, $0x1, v2  }
0x1a: {  	v6 =	vsel vm0, $0x1, v2;
	(xrf0) =	vadd.scan.msk.s32 $0xffff, v5  }
0x1b: {  	(xrf0) =	vadd.scan.msk.s32 $0xffff, v6;
	_ =	sdelay $0x4  }
0x1c: {  	v5, _, _ =	vpop (xrf0)  }
0x1d: {  	s0 =	spop @p1 (v2sf);
	v6, _, _ =	vpop (xrf0);
	(v2sf) =	vpush v5, $0xF  }
0x1e: {  	s0 =	sadd.s32 @p1 s28, s0;
	s1 =	spop @p1 (v2sf);
	(v2sf) =	vpush v6, $0xF  }
0x1f: {  	s1 =	sadd.s32 @p1 s29, s1;
	s22 =	smov.u32 @p1 s0  }
0x20: {  	v7 =	vmov s22;
	s25 =	smov.u32 @p1 s1  }
0x21: {  	v7 =	vadd.s32 $0xFFFFFFFF, v7;
	v63 =	vmov s25  }
0x22: {  	v7 =	vbroadcast v7, $0x0;
	v8 =	vadd.s32 $0xFFFFFFFF, v63  }
0x23: {  	v8 =	vbroadcast v8, $0x0  }
0x24: {  	v5 =	vadd.s32 v5, v7  }
0x25: {  	s0 =	sadd.s32 @p1 $0x10, s23;
	vm14 =	vlt.s32 v5, $0x80;
	v6 =	vadd.s32 v6, v8  }
0x26: {  	s24 =	smov.u32 @p1 s0;
	vm1 =	vmand vm1, vm14;
	vm15 =	vlt.s32 v6, $0x80  }
0x27: {  	v7 =	vld [tilespmem:s24+$0x0];
	vm0 =	vmand vm0, vm15;
	_ =	sdelay $0x4  }
0x28: {  	[tilespmem:v5+s14+$0x0] =	vst.idx.msk vm1, v7;
	s30 =	spop (v2sf)  }
0x29: {  	[tilespmem:v6+s14+$0x0] =	vst.idx.msk vm0, v7;
	s31 =	spop (v2sf)  }
.LBB2_48:
0x2a: {  	v5 =	vld [tilespmem:$0x19000];
	_ =	sdelay $0x6  }
0x2b: {  	v7 =	vld [tilespmem:$0x19010]  }
0x2c: {  	v6 =	vld.idx.msk [tilespmem:v5+s16+$0x0], $0xffff;
	_ =	sdelay $0x1  }
0x2d: {  	v5 =	vadd.s32 v0, v5  }
0x2e: {  	vm1 =	vgt.s32 v5, $0x0  }
0x2f: {  	v5 =	vnsel vm1, $0x0, v5  }
0x30: {  	v5 =	vmin.u32 v5, $0xFFFFF;
	v8 =	vxor.u32 $0x7FFFFFFF, v6;
	vm0 =	vlt.s32 v6, $0x0  }
0x31: {  	[tilespmem:$0x19100] =	vst v5;
	v6 =	vsel vm0, v8, v6  }
0x32: {  	[tilespmem:$0x19080] =	vst v6  }
0x33: {  	v5 =	vld.idx.msk [tilespmem:v7+s16+$0x0], $0xffff  }
0x34: {  	v6 =	vld [tilespmem:$0x19020];
	_ =	sdelay $0x2  }
0x35: {  	v7 =	vadd.s32 v0, v7  }
0x36: {  	vm15 =	vgt.s32 v7, $0x0;
	v58 =	vxor.u32 $0x7FFFFFFF, v5;
	vm14 =	vlt.s32 v5, $0x0  }
0x37: {  	v7 =	vnsel vm15, $0x0, v7;
	v5 =	vsel vm14, v58, v5  }
0x38: {  	[tilespmem:$0x19090] =	vst v5;
	v5 =	vmin.u32 v7, $0xFFFFF  }
0x39: {  	[tilespmem:$0x19110] =	vst v5  }
0x3a: {  	v5 =	vld.idx.msk [tilespmem:v6+s16+$0x0], $0xffff  }
0x3b: {  	v7 =	vld [tilespmem:$0x19030];
	_ =	sdelay $0x2  }
0x3c: {  	v6 =	vadd.s32 v0, v6  }
0x3d: {  	vm5 =	vgt.s32 v6, $0x0;
	v59 =	vxor.u32 $0x7FFFFFFF, v5;
	vm4 =	vlt.s32 v5, $0x0  }
0x3e: {  	v6 =	vnsel vm5, $0x0, v6;
	v5 =	vsel vm4, v59, v5  }
0x3f: {  	[tilespmem:$0x190A0] =	vst v5;
	v5 =	vmin.u32 v6, $0xFFFFF  }
0x40: {  	[tilespmem:$0x19120] =	vst v5  }
0x41: {  	v5 =	vld.idx.msk [tilespmem:v7+s16+$0x0], $0xffff  }
0x42: {  	v6 =	vld [tilespmem:$0x19040];
	_ =	sdelay $0x2  }
0x43: {  	v7 =	vadd.s32 v0, v7  }
0x44: {  	vm7 =	vgt.s32 v7, $0x0;
	v60 =	vxor.u32 $0x7FFFFFFF, v5;
	vm6 =	vlt.s32 v5, $0x0  }
0x45: {  	v7 =	vnsel vm7, $0x0, v7;
	v5 =	vsel vm6, v60, v5  }
0x46: {  	[tilespmem:$0x190B0] =	vst v5;
	v5 =	vmin.u32 v7, $0xFFFFF  }
0x47: {  	[tilespmem:$0x19130] =	vst v5  }
0x48: {  	v5 =	vld.idx.msk [tilespmem:v6+s16+$0x0], $0xffff  }
0x49: {  	v7 =	vld [tilespmem:$0x19050];
	_ =	sdelay $0x2  }
0x4a: {  	v6 =	vadd.s32 v0, v6  }
0x4b: {  	vm9 =	vgt.s32 v6, $0x0;
	v61 =	vxor.u32 $0x7FFFFFFF, v5;
	vm8 =	vlt.s32 v5, $0x0  }
0x4c: {  	v6 =	vnsel vm9, $0x0, v6;
	v5 =	vsel vm8, v61, v5  }
0x4d: {  	[tilespmem:$0x190C0] =	vst v5;
	v5 =	vmin.u32 v6, $0xFFFFF  }
0x4e: {  	[tilespmem:$0x19140] =	vst v5  }
0x4f: {  	v5 =	vld.idx.msk [tilespmem:v7+s16+$0x0], $0xffff  }
0x50: {  	v6 =	vld [tilespmem:$0x19060];
	_ =	sdelay $0x2  }
0x51: {  	v7 =	vadd.s32 v0, v7  }
0x52: {  	vm11 =	vgt.s32 v7, $0x0;
	v62 =	vxor.u32 $0x7FFFFFFF, v5;
	vm10 =	vlt.s32 v5, $0x0  }
0x53: {  	v7 =	vnsel vm11, $0x0, v7;
	v5 =	vsel vm10, v62, v5  }
0x54: {  	[tilespmem:$0x190D0] =	vst v5;
	v5 =	vmin.u32 v7, $0xFFFFF  }
0x55: {  	[tilespmem:$0x19150] =	vst v5  }
0x56: {  	v5 =	vld.idx.msk [tilespmem:v6+s16+$0x0], $0xffff  }
0x57: {  	v7 =	vld [tilespmem:$0x19070];
	_ =	sdelay $0x2  }
0x58: {  	v6 =	vadd.s32 v0, v6  }
0x59: {  	vm13 =	vgt.s32 v6, $0x0;
	v63 =	vxor.u32 $0x7FFFFFFF, v5;
	vm12 =	vlt.s32 v5, $0x0  }
0x5a: {  	v6 =	vnsel vm13, $0x0, v6;
	v5 =	vsel vm12, v63, v5  }
0x5b: {  	[tilespmem:$0x190E0] =	vst v5;
	v5 =	vmin.u32 v6, $0xFFFFF  }
0x5c: {  	[tilespmem:$0x19160] =	vst v5  }
0x5d: {  	v5 =	vld.idx.msk [tilespmem:v7+s16+$0x0], $0xffff;
	_ =	sdelay $0x3  }
0x5e: {  	v6 =	vadd.s32 v0, v7  }
0x5f: {  	vm15 =	vgt.s32 v6, $0x0;
	v7 =	vxor.u32 $0x7FFFFFFF, v5;
	vm14 =	vlt.s32 v5, $0x0  }
0x60: {  	v6 =	vnsel vm15, $0x0, v6;
	v5 =	vsel vm14, v7, v5  }
0x61: {  	s0 =	rddreg [dreg:$0x1];
	[tilespmem:$0x190F0] =	vst v5;
	v5 =	vmin.u32 v6, $0xFFFFF  }
0x62: {  	s1 =	simm.s32 $0x80;
	s2 =	simm.s32 $0x19100;
	s4 =	simm.s32 $0x19180;
	[tilespmem:$0x19170] =	vst v5  }
0x63: {  	[tilespmem:s4], [sflag:$0x1] =	stream.indirect.gather [hbm4b:s0+s1], $0x80, s2, s1, $0xb8;
	[tilespmem:$0x1D180] =	vst v63  }
0x64: {  	_ =	swait.ge [sflag:s15], $0x4000  }
0x65: {  	[sflag:s15] =	ssyncset.done $0x0  }
0x66: {  	s31 =	simm.s32 $0x19080;
	[sflag:s15] =	ssyncadd.s32 $0xFFFFC000  }
0x67: {  	[hbm4b:s7+s3] =	stream.linear.scatter [tilespmem:s31], [sflag:$0x2], $0x80, $0x38;
	[tilespmem:$0x1D180] =	vst v63  }
0x68: {  	_ =	swait.ge [sflag:s11], $0x80  }
0x69: {  	[sflag:s11] =	ssyncset.done $0x0  }
0x6a: {  	[sflag:s11] =	ssyncadd.s32 $0xFFFFFF80  }
0x6b: {  	[hbm4b:s8+s3] =	stream.linear.scatter [tilespmem:s14], [sflag:$0x2], $0x80, $0x38;
	[tilespmem:$0x1D180] =	vst v63  }
0x6c: {  	s21 =	sadd.s32 $0x1, s21;
	_ =	swait.ge [sflag:s11], $0x80  }
0x6d: {  	p0 =	sne.s32 s21, s10;
	[sflag:s11] =	ssyncset.done $0x0  }
.Ltmp1:
0x6e: {  	[sflag:s11] =	ssyncadd.s32 $0xFFFFFF80;
	(pc) =	sbr.rel @!p0 .LBB2_49-.Ltmp1, $4  }
0x6f: {  	[hbm4b:s9+s3] =	stream.linear.scatter [tilespmem:s4], [sflag:$0x2], $0x4000, $0x38;
	[tilespmem:$0x1D180] =	vst v63  }
0x70: {  	_ =	swait.ge [sflag:s11], $0x4000  }
0x71: {  	[sflag:s11] =	ssyncset.done $0x0  }
0x72: {  	[sflag:s11] =	ssyncadd.s32 $0xFFFFC000  }
.LBB2_1:
0x73: {  	s0 =	rddreg [dreg:$0x4]  }
0x74: {  	[tilespmem:s3], [sflag:$0x2] =	stream.linear.gather [hbm4b:s0+s3], $0x8000, $0x38;
	[tilespmem:$0x1D180] =	vst v63  }
0x75: {  	_ =	swait.ge [sflag:s11], $0x8000  }
0x76: {  	[sflag:s11] =	ssyncset.done $0x0  }
0x77: {  	s31 =	rddreg [dreg:$0x5];
	[sflag:s11] =	ssyncadd.s32 $0xFFFF8000  }
0x78: {  	[tilespmem:s12], [sflag:$0x2] =	stream.linear.gather [hbm4b:s31+s3], $0x8000, $0x38;
	[tilespmem:$0x1D180] =	vst v63  }
0x79: {  	_ =	swait.ge [sflag:s11], $0x8000  }
0x7a: {  	[sflag:s11] =	ssyncset.done $0x0  }
0x7b: {  	s0 =	simm.s32 $0x0;
	[sflag:s11] =	ssyncadd.s32 $0xFFFF8000  }
.LBB2_2:
0x7c: {  	p0 =	sne.s32 s0, $0x3FC0  }
.Ltmp2:
0x7d: {  	_ = 	snop;
	(pc) =	sbr.rel @p0 .LBB2_2-.Ltmp2, $3  }
0x7e: {  	_ =	sdelay $0x1  }
0x7f: {  	s1 =	sshra.s32 s0, $0x2  }
0x80: {  	s0 =	sadd.s32 $0x40, s0;
	[tilespmem:s1+$0x18000] =	vst v2  }
0x81: {  	s0 =	simm.s32 $0x0  }
0x82: {  	s1 =	simm.s32 $0x40;
	v5 =	vld [tilespmem:s0+$0x8000]  }
.LBB2_4:
0x83: {  	p0 =	sne.s32 s1, $0x1FFC0;
	v6 =	vld [tilespmem:s0+$0x0];
	_ =	sdelay $0x4  }
0x84: {  	v5 =	vadd.f32 v5, v6;
	_ =	sdelay $0x1  }
0x85: {  	v6 =	vxor.u32 $0x7FFFFFFF, v5;
	vm0 =	vlt.s32 v5, $0x0  }
0x86: {  	v6 =	vsel vm0, v6, v5  }
0x87: {  	v7 =	vshrl.u32 v6, $0x14  }
0x88: {  	v7 =	vand.u32 $0xFF0, v7  }
0x89: {  	v7 =	vxor.u32 v3, v7;
	_ =	sdelay $0x1  }
.Ltmp3:
0x8a: {  	(pc) =	sbr.rel @p0 .LBB2_4-.Ltmp3, $4  }
0x8b: {  	[tilespmem:s0+$0x0] =	vst v5  }
0x8c: {  	[tilespmem:s0+$0x10000] =	vst v6  }
0x8d: {  	s0 =	sshra.s32 s1, $0x2;
	[tilespmem:v7+s13+$0x0] =	vst.idx.add.s32.msk $0xffff, v4  }
0x8e: {  	s1 =	sadd.s32 $0x40, s1;
	v5 =	vld [tilespmem:s0+$0x8000]  }
0x8f: {  	v6 =	vld [tilespmem:s0+$0x0];
	_ =	sdelay $0x4  }
0x90: {  	v5 =	vadd.f32 v5, v6;
	_ =	sdelay $0x1  }
0x91: {  	v6 =	vxor.u32 $0x7FFFFFFF, v5;
	vm0 =	vlt.s32 v5, $0x0  }
0x92: {  	v6 =	vsel vm0, v6, v5  }
0x93: {  	v7 =	vshrl.u32 v6, $0x14  }
0x94: {  	v7 =	vand.u32 $0xFF0, v7  }
0x95: {  	v7 =	vxor.u32 v3, v7;
	_ =	sdelay $0x2  }
0x96: {  	[tilespmem:s0+$0x0] =	vst v5  }
0x97: {  	[tilespmem:s0+$0x10000] =	vst v6  }
0x98: {  	s24 =	simm.s32 $0x0;
	[tilespmem:v7+s13+$0x0] =	vst.idx.add.s32.msk $0xffff, v4  }
0x99: {  	[hbm4b:s6+s24] =	stream.linear.scatter [tilespmem:s24], [sflag:$0x2], $0x8000, $0x38;
	[tilespmem:$0x1D180] =	vst v63  }
0x9a: {  	_ =	swait.ge [sflag:s11], $0x8000  }
0x9b: {  	[sflag:s11] =	ssyncset.done $0x0  }
0x9c: {  	s23 =	simm.s32 $0x18FF0;
	[sflag:s11] =	ssyncadd.s32 $0xFFFF8000  }
0x9d: {  	v5 =	vld [tilespmem:s23+$0x0];
	_ =	sdelay $0x4  }
0x9e: {  	(xrf0) =	vadd.scan.msk.s32 $0xffff, v5;
	_ =	sdelay $0x5  }
0x9f: {  	v5, _, _ =	vpop (xrf0)  }
0xa0: {  	s25 =	simm.s32 $0x18FE0;
	(v2sf) =	vpush v5, $0xF  }
0xa1: {  	v5 =	vld [tilespmem:s25+$0x0]  }
0xa2: {  	s26 =	simm.s32 $0x18FD0  }
0xa3: {  	v6 =	vld [tilespmem:s26+$0x0];
	_ =	sdelay $0x2  }
0xa4: {  	(xrf0) =	vadd.scan.msk.s32 $0xffff, v5;
	_ =	sdelay $0x1  }
0xa5: {  	(xrf0) =	vadd.scan.msk.s32 $0xffff, v6;
	_ =	sdelay $0x2  }
0xa6: {  	s30 =	simm.s32 $0x18FC0  }
0xa7: {  	v7 =	vld [tilespmem:s30+$0x0];
	v6, _, _ =	vpop (xrf0)  }
0xa8: {  	(v2sf) =	vpush v6, $0xF  }
0xa9: {  	v6, _, _ =	vpop (xrf0)  }
0xaa: {  	s4 =	spop (v2sf);
	(v2sf) =	vpush v6, $0xF;
	_ =	sdelay $0x1  }
0xab: {  	s31 =	simm.s32 $0x18FB0;
	(xrf0) =	vadd.scan.msk.s32 $0xffff, v7  }
0xac: {  	v5 =	vld [tilespmem:s31+$0x0];
	_ =	sdelay $0x1  }
0xad: {  	s1 =	simm.s32 $0xFF;
	s28 =	simm.s32 $0xFD;
	s29 =	simm.s32 $0xFC  }
0xae: {  	s2 =	simm.s32 $0xFA;
	s17 =	simm.s32 $0x18FA0;
	p1 =	por $0x1, $0x1  }
0xaf: {  	s22 =	simm.s32 $0x0;
	s0 =	simm.s32 $0xFE;
	s25 =	sadd.s32 $0x0, s4  }
0xb0: {  	s23 =	simm.s32 $0xFB;
	s26 =	simm.s32 $0x0;
	(xrf0) =	vadd.scan.msk.s32 $0xffff, v5;
	v5, _, _ =	vpop (xrf0);
	p2 =	sgt.s32 s25, $0x7F  }
.LBB2_6:
0xb1: {  	p0 =	sne.s32 s2, $0x0;
	p1 =	por !p1, !p2;
	s4 =	smov.u32 s2  }
0xb2: {  	v6 =	vld [tilespmem:s17+$0x0];
	(v2sf) =	vpush v5, $0xF;
	s2 =	sadd.s32 $0xFFFFFFFF, s2;
	s18 =	smov.u32 s26;
	s26 =	smov.u32 s25  }
.Ltmp4:
0xb3: {  	p1 =	por !p1, !p1;
	(pc) =	sbr.rel @p0 .LBB2_6-.Ltmp4, $4  }
0xb4: {  	s24 =	smov.u32 @p1 s1;
	s22 =	smov.u32 @p1 s18;
	s1 =	smov.u32 s0  }
0xb5: {  	s0 =	smov.u32 s28;
	s28 =	smov.u32 s29;
	s18 =	spop (v2sf)  }
0xb6: {  	s29 =	smov.u32 s23;
	s23 =	smov.u32 s4;
	s25 =	sadd.s32 s25, s18  }
0xb7: {  	s17 =	sadd.s32 $0xFFFFFFF0, s17;
	p1 =	slt.s32 s26, $0x80;
	(xrf0) =	vadd.scan.msk.s32 $0xffff, v6;
	v5, _, _ =	vpop (xrf0);
	p2 =	sgt.s32 s25, $0x7F  }
0xb8: {  	_ =	sdelay $0x4  }
0xb9: {  	(v2sf) =	vpush v5, $0xF;
	v5, _, _ =	vpop (xrf0)  }
0xba: {  	(v2sf) =	vpush v5, $0xF;
	_ =	sdelay $0x6  }
0xbb: {  	[tilespmem:$0x19000] =	vst v2;
	p0 =	por !p1, !p2  }
0xbc: {  	[tilespmem:$0x19010] =	vst v2;
	s2 =	spop (v2sf);
	p0 =	por !p0, !p0  }
0xbd: {  	[tilespmem:$0x19020] =	vst v2;
	s24 =	smov.u32 @p0 s1;
	s1 =	sadd.s32 s25, s2  }
0xbe: {  	[tilespmem:$0x19030] =	vst v2;
	p3 =	slt.s32 s25, $0x80;
	p4 =	sgt.s32 s1, $0x7F  }
0xbf: {  	[tilespmem:$0x19040] =	vst v2;
	p1 =	por !p3, !p4  }
0xc0: {  	[tilespmem:$0x19050] =	vst v2;
	s31 =	simm.s32 $0x10000;
	p1 =	por !p1, !p1;
	s20 =	spop (v2sf)  }
0xc1: {  	[tilespmem:$0x19060] =	vst v2;
	p5 =	slt.s32 s1, $0x80;
	s24 =	smov.u32 @p1 s0;
	s2 =	sadd.s32 s1, s20  }
0xc2: {  	[tilespmem:$0x19070] =	vst v2;
	p4 =	sgt.s32 s2, $0x7F;
	p6 =	slt.s32 s2, $0x80;
	s4 =	spop (v2sf)  }
0xc3: {  	v6 =	vld [tilespmem:s31+$0x0];
	p2 =	por !p5, !p4;
	s4 =	sadd.s32 s2, s4;
	s17 =	spop (v2sf)  }
0xc4: {  	p2 =	por !p2, !p2;
	p5 =	sgt.s32 s4, $0x7F;
	s30 =	sadd.s32 s4, s17  }
0xc5: {  	p4 =	por !p6, !p5;
	p6 =	slt.s32 s4, $0x80;
	p3 =	sgt.s32 s30, $0x7F  }
0xc6: {  	s24 =	smov.u32 @p2 s28;
	p5 =	por !p6, !p3;
	p3 =	por !p4, !p4  }
0xc7: {  	s24 =	smov.u32 @p3 s29;
	p4 =	por !p5, !p5  }
0xc8: {  	v7 =	vshrl.u32 v6, $0x18;
	s24 =	smov.u32 @p4 s23  }
0xc9: {  	v7 =	vxor.u32 $0x80, v7;
	v5 =	vmov s24  }
0xca: {  	vm0 =	vgt.u32 v7, v5  }
0xcb: {  	v8 =	vsel vm0, $0x1, v2  }
0xcc: {  	(xrf0) =	vadd.scan.msk.s32 $0xffff, v8;
	_ =	sdelay $0x1  }
0xcd: {  	s23 =	simm.s32 $0x0;
	vm1 =	veq.s32 v7, v5  }
0xce: {  	v7 =	vmov s23;
	v8 =	vsel vm1, $0x1, v2  }
0xcf: {  	v7 =	vadd.s32 $0xFFFFFFFF, v7;
	(xrf0) =	vadd.scan.msk.s32 $0xffff, v8  }
0xd0: {  	v7 =	vbroadcast v7, $0x0  }
0xd1: {  	v8, _, _ =	vpop (xrf0)  }
0xd2: {  	v9 =	vadd.s32 v8, v7;
	(v2sf) =	vpush v8, $0xF  }
0xd3: {  	vm2 =	vlt.s32 v9, $0x80  }
0xd4: {  	vm0 =	vmand vm0, vm2  }
0xd5: {  	v10, _, _ =	vpop (xrf0)  }
0xd6: {  	v7 =	vadd.s32 v10, v7;
	(v2sf) =	vpush v10, $0xF;
	_ =	sdelay $0x2  }
0xd7: {  	s22 =	smov.u32 @p0 s26;
	v11 =	vor.u32 s23, v1  }
0xd8: {  	s22 =	smov.u32 @p1 s25;
	[tilespmem:v9+s14+$0x0] =	vst.idx.msk vm0, v11  }
0xd9: {  	s26 =	simm.s32 $0x0;
	s22 =	smov.u32 @p2 s1;
	[tilespmem:v7+s23+$0x0] =	vst.idx.msk vm1, v6  }
0xda: {  	s25 =	simm.s32 $0x10;
	s0 =	simm.s32 $0x10010;
	s22 =	smov.u32 @p3 s2;
	[tilespmem:v7+s12+$0x0] =	vst.idx.msk vm1, v11  }
0xdb: {  	s28 =	simm.s32 $0x0;
	s2 =	simm.s32 $0x20;
	s22 =	smov.u32 @p4 s4;
	v6 =	vld [tilespmem:s0+$0x0]  }
.LBB2_8:
0xdc: {  	p0 =	sne.s32 s2, $0x7FF0;
	_ =	sdelay $0x2  }
0xdd: {  	s1 =	spop (v2sf)  }
0xde: {  	v7 =	vshrl.u32 v6, $0x18;
	s28 =	sadd.s32 s28, s1  }
0xdf: {  	v7 =	vxor.u32 $0x80, v7;
	v8 =	vmov s28  }
0xe0: {  	vm1 =	vgt.u32 v7, v5;
	vm0 =	veq.s32 v7, v5;
	v7 =	vadd.s32 $0xFFFFFFFF, v8  }
0xe1: {  	v8 =	vsel vm1, $0x1, v2;
	v7 =	vbroadcast v7, $0x0;
	s1 =	spop (v2sf)  }
0xe2: {  	(xrf0) =	vadd.scan.msk.s32 $0xffff, v8;
	s26 =	sadd.s32 s26, s1;
	_ =	sdelay $0x2  }
0xe3: {  	v8 =	vsel vm0, $0x1, v2  }
0xe4: {  	(xrf0) =	vadd.scan.msk.s32 $0xffff, v8;
	_ =	sdelay $0x1  }
0xe5: {  	v8, _, _ =	vpop (xrf0)  }
0xe6: {  	v9 =	vmov s26;
	v7 =	vadd.s32 v8, v7;
	(v2sf) =	vpush v8, $0xF  }
0xe7: {  	v8 =	vadd.s32 $0xFFFFFFFF, v9;
	vm2 =	vlt.s32 v7, $0x80  }
0xe8: {  	v8 =	vbroadcast v8, $0x0;
	vm1 =	vmand vm1, vm2  }
0xe9: {  	v9, _, _ =	vpop (xrf0)  }
0xea: {  	v8 =	vadd.s32 v9, v8;
	(v2sf) =	vpush v9, $0xF;
	_ =	sdelay $0x2  }
.Ltmp5:
0xeb: {  	v9 =	vor.u32 s25, v1;
	s25 =	smov.u32 s2;
	(pc) =	sbr.rel @p0 .LBB2_8-.Ltmp5, $4  }
0xec: {  	[tilespmem:v7+s14+$0x0] =	vst.idx.msk vm1, v9  }
0xed: {  	[tilespmem:v8+s23+$0x0] =	vst.idx.msk vm0, v6  }
0xee: {  	s0 =	sadd.s32 $0x10, s0;
	[tilespmem:v8+s12+$0x0] =	vst.idx.msk vm0, v9  }
0xef: {  	s2 =	sadd.s32 $0x10, s2;
	v6 =	vld [tilespmem:s0+$0x0]  }
0xf0: {  	_ =	sdelay $0x3  }
0xf1: {  	v7 =	vshrl.u32 v6, $0x18  }
0xf2: {  	v7 =	vxor.u32 $0x80, v7  }
0xf3: {  	vm0 =	vgt.u32 v7, v5  }
0xf4: {  	vm1 =	veq.s32 v7, v5;
	v5 =	vsel vm0, $0x1, v2  }
0xf5: {  	(xrf0) =	vadd.scan.msk.s32 $0xffff, v5;
	v5 =	vsel vm1, $0x1, v2  }
0xf6: {  	(xrf0) =	vadd.scan.msk.s32 $0xffff, v5;
	_ =	sdelay $0x4  }
0xf7: {  	v5, _, _ =	vpop (xrf0)  }
0xf8: {  	(v2sf) =	vpush v5, $0xF;
	v7, _, _ =	vpop (xrf0)  }
0xf9: {  	s0 =	spop (v2sf);
	(v2sf) =	vpush v7, $0xF  }
0xfa: {  	s0 =	sadd.s32 s28, s0  }
0xfb: {  	v8 =	vmov s0  }
0xfc: {  	v8 =	vadd.s32 $0xFFFFFFFF, v8  }
0xfd: {  	s31 =	spop (v2sf);
	v8 =	vbroadcast v8, $0x0  }
0xfe: {  	s0 =	sadd.s32 s26, s31  }
0xff: {  	v62 =	vmov s0;
	v5 =	vadd.s32 v5, v8  }
0x100: {  	v8 =	vadd.s32 $0xFFFFFFFF, v62;
	vm2 =	vlt.s32 v5, $0x80  }
0x101: {  	v8 =	vbroadcast v8, $0x0;
	vm0 =	vmand vm0, vm2;
	_ =	sdelay $0x1  }
0x102: {  	v7 =	vadd.s32 v7, v8;
	_ =	sdelay $0x2  }
0x103: {  	v63 =	vor.u32 s25, v1  }
0x104: {  	[tilespmem:v5+s14+$0x0] =	vst.idx.msk vm0, v63;
	s1 =	spop (v2sf)  }
0x105: {  	[tilespmem:v7+s23+$0x0] =	vst.idx.msk vm1, v6;
	s1 =	spop (v2sf)  }
0x106: {  	s2 =	simm.s32 $0x40;
	[tilespmem:v7+s12+$0x0] =	vst.idx.msk vm1, v63;
	s0 =	sadd.s32 s0, s1;
	s1 =	simm.s32 $0x0  }
.LBB2_10:
0x107: {  	p0 =	sne.s32 s2, $0x3FC0;
	[tilespmem:s1+$0x18000] =	vst v2;
	s1 =	smov.u32 s2;
	s2 =	sadd.s32 $0x40, s2  }
.Ltmp6:
0x108: {  	(pc) =	sbr.rel @p0 .LBB2_10-.Ltmp6, $2  }
0x109: {  	_ =	sdelay $0x2  }
0x10a: {  	s1 =	sshra.s32 s1, $0x2  }
0x10b: {  	s2 =	sadd.s32 $0xF, s0  }
0x10c: {  	s4 =	sand.u32 $0xF, s2  }
0x10d: {  	s30 =	sshra.s32 s2, $0x1F;
	p1 =	slt.s32 s2, $0x1;
	p0 =	sne.s32 s4, $0x0  }
0x10e: {  	s4 =	sshrl.u32 s30, $0x1C;
	p0 =	por !p1, !p0  }
0x10f: {  	s2 =	sadd.s32 s4, s2;
	s4 =	simm.s32 $0x1;
	p0 =	por !p0, !p0  }
0x110: {  	s2 =	sshra.s32 s2, $0x4;
	s4 =	simm.s32 @!p0 $0x0  }
0x111: {  	s23 =	ssub.s32 s2, s4  }
0x112: {  	p1 =	slt.s32 s23, $0x1  }
.Ltmp7:
0x113: {  	_ = 	snop;
	(pc) =	sbr.rel @p1 .LBB2_18-.Ltmp7, $3  }
0x114: {  	_ =	sdelay $0x1  }
0x115: {  	s31 =	sshll.u32 s24, $0x18  }
0x116: {  	[tilespmem:s1+$0x18000] =	vst v2;
	v5 =	vmov s0;
	s24 =	sxor.u32 $0x80000000, s31;
	p0 =	sne.s32 s23, $0x1  }
.Ltmp8:
0x117: {  	(pc) =	sbr.rel @!p0 .LBB2_13-.Ltmp8, $3  }
0x118: {  	_ =	sdelay $0x1  }
0x119: {  	s0 =	simm.s32 $0x0  }
0x11a: {  	v6 =	vmov s24;
	s1 =	sadd.s32 $0xFFFFFFFF, s23;
	p2 =	por $0x0, $0x0;
	v7 =	vld [tilespmem:s0+$0x0]  }
0x11b: {  	_ =	sdelay $0x3  }
0x11c: {  	v8 =	vor.u32 s0, v1;
	v9 =	vand.u32 $0xFF000000, v7  }
0x11d: {  	vm0 =	vlt.s32 v8, v5;
	v7 =	vshrl.u32 v7, $0xC;
	vm1 =	veq.s32 v9, v6  }
0x11e: {  	v7 =	vand.u32 $0xFF0, v7;
	vm0 =	vmand vm0, vm1  }
0x11f: {  	v7 =	vor.u32 v1, v7  }
0x120: {  	p3 =	sne.s32 s1, $0x1  }
.Ltmp9:
0x121: {  	_ = 	snop;
	(pc) =	sbr.rel @!p3 .LBB2_15-.Ltmp9, $3  }
0x122: {  	_ =	sdelay $0x1  }
0x123: {  	s2 =	simm.s32 $0x10;
	[tilespmem:v7+s13+$0x0] =	vst.idx.add.s32.msk vm0, v4  }
0x124: {  	s4 =	sadd.s32 $0xFFFFFFFF, s1;
	p2 =	por $0x1, $0x1;
	s1 =	simm.s32 $0x0;
	v7 =	vld [tilespmem:s2+$0x0]  }
.LBB2_16:
0x125: {  	p3 =	sne.s32 s4, $0x1;
	_ =	sdelay $0x2  }
0x126: {  	s1 =	sadd.s32 $0x10, s1  }
0x127: {  	v8 =	vor.u32 s1, v1;
	v9 =	vand.u32 $0xFF000000, v7  }
0x128: {  	vm0 =	vlt.s32 v8, v5;
	v7 =	vshrl.u32 v7, $0xC;
	vm1 =	veq.s32 v9, v6  }
0x129: {  	v7 =	vand.u32 $0xFF0, v7;
	vm0 =	vmand vm0, vm1  }
0x12a: {  	v7 =	vor.u32 v1, v7;
	_ =	sdelay $0x1  }
.Ltmp10:
0x12b: {  	(pc) =	sbr.rel @p3 .LBB2_16-.Ltmp10, $3  }
0x12c: {  	_ =	sdelay $0x1  }
0x12d: {  	s2 =	sadd.s32 $0x10, s2;
	[tilespmem:v7+s13+$0x0] =	vst.idx.add.s32.msk vm0, v4  }
0x12e: {  	s4 =	sadd.s32 $0xFFFFFFFF, s4;
	v7 =	vld [tilespmem:s2+$0x0]  }
.LBB2_17:
0x12f: {  	_ =	sdelay $0x1  }
0x130: {  	s1 =	sadd.s32 @p2 $0x10, s1  }
0x131: {  	s0 =	smov.u32 @p2 s1  }
0x132: {  	v8 =	vor.u32 s0, v1;
	v9 =	vand.u32 $0xFF000000, v7  }
0x133: {  	vm0 =	vlt.s32 v8, v5;
	vm1 =	veq.s32 v9, v6;
	v6 =	vshrl.u32 v7, $0xC  }
0x134: {  	vm0 =	vmand vm0, vm1;
	v6 =	vand.u32 $0xFF0, v6  }
0x135: {  	v6 =	vor.u32 v1, v6;
	_ =	sdelay $0x4  }
0x136: {  	[tilespmem:v6+s13+$0x0] =	vst.idx.add.s32.msk vm0, v4  }
.LBB2_18:
0x137: {  	s0 =	simm.s32 $0x18FF0  }
0x138: {  	v6 =	vld [tilespmem:s0+$0x0];
	_ =	sdelay $0x4  }
0x139: {  	(xrf0) =	vadd.scan.msk.s32 $0xffff, v6;
	_ =	sdelay $0x5  }
0x13a: {  	v6, _, _ =	vpop (xrf0)  }
0x13b: {  	(v2sf) =	vpush v6, $0xF;
	_ =	sdelay $0x1  }
0x13c: {  	s19 =	simm.s32 $0x18FE0  }
0x13d: {  	v6 =	vld [tilespmem:s19+$0x0]  }
0x13e: {  	s20 =	simm.s32 $0x18FD0  }
0x13f: {  	v7 =	vld [tilespmem:s20+$0x0];
	_ =	sdelay $0x2  }
0x140: {  	(xrf0) =	vadd.scan.msk.s32 $0xffff, v6;
	_ =	sdelay $0x1  }
0x141: {  	(xrf0) =	vadd.scan.msk.s32 $0xffff, v7;
	_ =	sdelay $0x2  }
0x142: {  	s25 =	simm.s32 $0x18FC0  }
0x143: {  	v8 =	vld [tilespmem:s25+$0x0];
	v7, _, _ =	vpop (xrf0)  }
0x144: {  	s2 =	spop (v2sf);
	(v2sf) =	vpush v7, $0xF  }
0x145: {  	v7, _, _ =	vpop (xrf0)  }
0x146: {  	(v2sf) =	vpush v7, $0xF;
	_ =	sdelay $0x1  }
0x147: {  	s26 =	simm.s32 $0x18FB0;
	(xrf0) =	vadd.scan.msk.s32 $0xffff, v8  }
0x148: {  	v6 =	vld [tilespmem:s26+$0x0]  }
0x149: {  	s28 =	ssub.s32 $0x80, s22;
	s1 =	simm.s32 $0xFF  }
0x14a: {  	s31 =	simm.s32 $0xFE;
	s30 =	simm.s32 $0xFC;
	s29 =	simm.s32 $0xFB  }
0x14b: {  	s18 =	simm.s32 $0xFA;
	s17 =	simm.s32 $0x0;
	s0 =	simm.s32 $0xFD  }
0x14c: {  	s20 =	simm.s32 $0x18FA0;
	p3 =	sgt.s32 s28, $0x0;
	s2 =	sadd.s32 $0x0, s2  }
0x14d: {  	s25 =	simm.s32 $0x0;
	s26 =	simm.s32 $0x0;
	(xrf0) =	vadd.scan.msk.s32 $0xffff, v6;
	v6, _, _ =	vpop (xrf0);
	p4 =	sge.s32 s2, s28  }
.LBB2_19:
0x14e: {  	p2 =	seq.s32 s18, $0x0;
	p3 =	por !p3, !p4;
	s4 =	smov.u32 s18  }
0x14f: {  	v7 =	vld [tilespmem:s20+$0x0];
	(v2sf) =	vpush v6, $0xF;
	s18 =	sadd.s32 $0xFFFFFFFF, s18;
	s19 =	smov.u32 s17;
	s17 =	smov.u32 s2  }
.Ltmp11:
0x150: {  	p3 =	por !p3, !p3;
	(pc) =	sbr.rel @!p2 .LBB2_19-.Ltmp11, $4  }
0x151: {  	s26 =	smov.u32 @p3 s1;
	s25 =	smov.u32 @p3 s19;
	s1 =	smov.u32 s31  }
0x152: {  	s31 =	smov.u32 s0;
	s0 =	smov.u32 s30;
	s19 =	spop (v2sf)  }
0x153: {  	s30 =	smov.u32 s29;
	s29 =	smov.u32 s4;
	s2 =	sadd.s32 s2, s19  }
0x154: {  	s20 =	sadd.s32 $0xFFFFFFF0, s20;
	p3 =	slt.s32 s17, s28;
	(xrf0) =	vadd.scan.msk.s32 $0xffff, v7;
	v6, _, _ =	vpop (xrf0);
	p4 =	sge.s32 s2, s28  }
0x155: {  	_ =	sdelay $0x3  }
0x156: {  	(v2sf) =	vpush v6, $0xF  }
0x157: {  	v6, _, _ =	vpop (xrf0)  }
0x158: {  	(v2sf) =	vpush v6, $0xF;
	_ =	sdelay $0x7  }
0x159: {  	s4 =	spop (v2sf);
	p2 =	por !p3, !p4;
	p4 =	slt.s32 s2, s28  }
0x15a: {  	p2 =	por !p2, !p2;
	s4 =	sadd.s32 s2, s4;
	s18 =	spop (v2sf)  }
0x15b: {  	p5 =	sge.s32 s4, s28;
	s26 =	smov.u32 @p2 s1;
	s1 =	sadd.s32 s4, s18  }
0x15c: {  	p6 =	slt.s32 s4, s28;
	p3 =	por !p4, !p5;
	p5 =	sge.s32 s1, s28  }
0x15d: {  	s25 =	smov.u32 @p2 s17;
	p3 =	por !p3, !p3;
	p4 =	por !p6, !p5  }
0x15e: {  	s26 =	smov.u32 @p3 s31;
	p2 =	por !p4, !p4;
	s20 =	spop (v2sf)  }
0x15f: {  	s26 =	smov.u32 @p2 s0;
	s0 =	sadd.s32 s1, s20  }
0x160: {  	p5 =	slt.s32 s1, s28;
	p6 =	sge.s32 s0, s28;
	s31 =	spop (v2sf)  }
0x161: {  	s25 =	smov.u32 @p3 s2;
	p3 =	por !p5, !p6;
	s2 =	sadd.s32 s0, s31  }
0x162: {  	p5 =	slt.s32 s0, s28;
	p3 =	por !p3, !p3;
	p6 =	sge.s32 s2, s28  }
0x163: {  	s25 =	smov.u32 @p2 s4;
	s26 =	smov.u32 @p3 s30;
	p6 =	por !p5, !p6  }
0x164: {  	s25 =	smov.u32 @p3 s1;
	s1 =	simm.s32 $0x0;
	p2 =	por !p6, !p6  }
0x165: {  	s26 =	smov.u32 @p2 s29;
	s25 =	smov.u32 @p2 s0;
	s0 =	simm.s32 $0x40  }
.LBB2_21:
0x166: {  	p2 =	seq.s32 s0, $0x3FC0;
	[tilespmem:s1+$0x18000] =	vst v2;
	s1 =	smov.u32 s0;
	s0 =	sadd.s32 $0x40, s0  }
.Ltmp12:
0x167: {  	(pc) =	sbr.rel @!p2 .LBB2_21-.Ltmp12, $2  }
0x168: {  	_ =	sdelay $0x2  }
0x169: {  	s1 =	sshra.s32 s1, $0x2  }
.Ltmp13:
0x16a: {  	(pc) =	sbr.rel @p1 .LBB2_29-.Ltmp13, $3  }
0x16b: {  	_ =	sdelay $0x1  }
0x16c: {  	s0 =	sshll.u32 s26, $0x10  }
0x16d: {  	[tilespmem:s1+$0x18000] =	vst v2;
	s24 =	sor.u32 s24, s0  }
.Ltmp14:
0x16e: {  	(pc) =	sbr.rel @!p0 .LBB2_24-.Ltmp14, $3  }
0x16f: {  	_ =	sdelay $0x1  }
0x170: {  	s0 =	simm.s32 $0x0  }
0x171: {  	v6 =	vmov s24;
	s1 =	sadd.s32 $0xFFFFFFFF, s23;
	p2 =	por $0x0, $0x0;
	v7 =	vld [tilespmem:s0+$0x0]  }
0x172: {  	_ =	sdelay $0x3  }
0x173: {  	v8 =	vor.u32 s0, v1;
	v9 =	vand.u32 $0xFFFF0000, v7  }
0x174: {  	vm0 =	vlt.s32 v8, v5;
	v7 =	vshrl.u32 v7, $0x4;
	vm1 =	veq.s32 v9, v6  }
0x175: {  	v7 =	vand.u32 $0xFF0, v7;
	vm0 =	vmand vm0, vm1  }
0x176: {  	v7 =	vor.u32 v1, v7  }
0x177: {  	p3 =	sne.s32 s1, $0x1  }
.Ltmp15:
0x178: {  	_ = 	snop;
	(pc) =	sbr.rel @!p3 .LBB2_26-.Ltmp15, $3  }
0x179: {  	_ =	sdelay $0x1  }
0x17a: {  	s2 =	simm.s32 $0x10;
	[tilespmem:v7+s13+$0x0] =	vst.idx.add.s32.msk vm0, v4  }
0x17b: {  	s4 =	sadd.s32 $0xFFFFFFFF, s1;
	p2 =	por $0x1, $0x1;
	s1 =	simm.s32 $0x0;
	v7 =	vld [tilespmem:s2+$0x0]  }
.LBB2_27:
0x17c: {  	p3 =	sne.s32 s4, $0x1;
	_ =	sdelay $0x2  }
0x17d: {  	s1 =	sadd.s32 $0x10, s1  }
0x17e: {  	v8 =	vor.u32 s1, v1;
	v9 =	vand.u32 $0xFFFF0000, v7  }
0x17f: {  	vm0 =	vlt.s32 v8, v5;
	v7 =	vshrl.u32 v7, $0x4;
	vm1 =	veq.s32 v9, v6  }
0x180: {  	v7 =	vand.u32 $0xFF0, v7;
	vm0 =	vmand vm0, vm1  }
0x181: {  	v7 =	vor.u32 v1, v7;
	_ =	sdelay $0x1  }
.Ltmp16:
0x182: {  	(pc) =	sbr.rel @p3 .LBB2_27-.Ltmp16, $3  }
0x183: {  	_ =	sdelay $0x1  }
0x184: {  	s2 =	sadd.s32 $0x10, s2;
	[tilespmem:v7+s13+$0x0] =	vst.idx.add.s32.msk vm0, v4  }
0x185: {  	s4 =	sadd.s32 $0xFFFFFFFF, s4;
	v7 =	vld [tilespmem:s2+$0x0]  }
.LBB2_28:
0x186: {  	_ =	sdelay $0x1  }
0x187: {  	s1 =	sadd.s32 @p2 $0x10, s1  }
0x188: {  	s0 =	smov.u32 @p2 s1  }
0x189: {  	v8 =	vor.u32 s0, v1;
	v9 =	vand.u32 $0xFFFF0000, v7  }
0x18a: {  	vm0 =	vlt.s32 v8, v5;
	vm1 =	veq.s32 v9, v6;
	v6 =	vshrl.u32 v7, $0x4  }
0x18b: {  	vm0 =	vmand vm0, vm1;
	v6 =	vand.u32 $0xFF0, v6  }
0x18c: {  	v6 =	vor.u32 v1, v6;
	_ =	sdelay $0x4  }
0x18d: {  	[tilespmem:v6+s13+$0x0] =	vst.idx.add.s32.msk vm0, v4  }
.LBB2_29:
0x18e: {  	s0 =	simm.s32 $0x18FF0  }
0x18f: {  	v6 =	vld [tilespmem:s0+$0x0];
	_ =	sdelay $0x4  }
0x190: {  	(xrf0) =	vadd.scan.msk.s32 $0xffff, v6;
	_ =	sdelay $0x5  }
0x191: {  	v6, _, _ =	vpop (xrf0)  }
0x192: {  	(v2sf) =	vpush v6, $0xF;
	_ =	sdelay $0x1  }
0x193: {  	s18 =	simm.s32 $0x18FE0  }
0x194: {  	v6 =	vld [tilespmem:s18+$0x0]  }
0x195: {  	s19 =	simm.s32 $0x18FD0  }
0x196: {  	v7 =	vld [tilespmem:s19+$0x0];
	_ =	sdelay $0x2  }
0x197: {  	(xrf0) =	vadd.scan.msk.s32 $0xffff, v6;
	_ =	sdelay $0x1  }
0x198: {  	(xrf0) =	vadd.scan.msk.s32 $0xffff, v7;
	_ =	sdelay $0x2  }
0x199: {  	s20 =	simm.s32 $0x18FC0  }
0x19a: {  	v8 =	vld [tilespmem:s20+$0x0];
	v7, _, _ =	vpop (xrf0)  }
0x19b: {  	s1 =	spop (v2sf);
	(v2sf) =	vpush v7, $0xF  }
0x19c: {  	v7, _, _ =	vpop (xrf0)  }
0x19d: {  	(v2sf) =	vpush v7, $0xF;
	_ =	sdelay $0x1  }
0x19e: {  	s26 =	simm.s32 $0x18FB0;
	(xrf0) =	vadd.scan.msk.s32 $0xffff, v8  }
0x19f: {  	v6 =	vld [tilespmem:s26+$0x0]  }
0x1a0: {  	s25 =	sadd.s32 s22, s25;
	s28 =	simm.s32 $0x0;
	s17 =	simm.s32 $0xFF  }
0x1a1: {  	s2 =	simm.s32 $0xFE;
	s31 =	simm.s32 $0xFC;
	s30 =	simm.s32 $0xFB  }
0x1a2: {  	s4 =	simm.s32 $0x18FA0;
	s29 =	ssub.s32 $0x80, s25;
	s0 =	simm.s32 $0xFD  }
0x1a3: {  	s20 =	simm.s32 $0xFA;
	p3 =	sgt.s32 s29, $0x0;
	s1 =	sadd.s32 $0x0, s1  }
0x1a4: {  	s18 =	simm.s32 $0x0;
	s26 =	simm.s32 $0x0;
	(xrf0) =	vadd.scan.msk.s32 $0xffff, v6;
	v6, _, _ =	vpop (xrf0);
	p4 =	sge.s32 s1, s29  }
.LBB2_30:
0x1a5: {  	p2 =	seq.s32 s20, $0x0;
	p3 =	por !p3, !p4;
	s19 =	smov.u32 s20  }
0x1a6: {  	v7 =	vld [tilespmem:s4+$0x0];
	(v2sf) =	vpush v6, $0xF;
	s20 =	sadd.s32 $0xFFFFFFFF, s20;
	s5 =	smov.u32 s18;
	s18 =	smov.u32 s1  }
.Ltmp17:
0x1a7: {  	p3 =	por !p3, !p3;
	(pc) =	sbr.rel @!p2 .LBB2_30-.Ltmp17, $4  }
0x1a8: {  	s28 =	smov.u32 @p3 s17;
	s26 =	smov.u32 @p3 s5;
	s17 =	smov.u32 s2  }
0x1a9: {  	s2 =	smov.u32 s0;
	s0 =	smov.u32 s31;
	s5 =	spop (v2sf)  }
0x1aa: {  	s31 =	smov.u32 s30;
	s30 =	smov.u32 s19;
	s1 =	sadd.s32 s1, s5  }
0x1ab: {  	s4 =	sadd.s32 $0xFFFFFFF0, s4;
	p3 =	slt.s32 s18, s29;
	(xrf0) =	vadd.scan.msk.s32 $0xffff, v7;
	v6, _, _ =	vpop (xrf0);
	p4 =	sge.s32 s1, s29  }
0x1ac: {  	_ =	sdelay $0x3  }
0x1ad: {  	(v2sf) =	vpush v6, $0xF  }
0x1ae: {  	v6, _, _ =	vpop (xrf0)  }
0x1af: {  	(v2sf) =	vpush v6, $0xF;
	_ =	sdelay $0x7  }
0x1b0: {  	s4 =	spop (v2sf);
	p2 =	por !p3, !p4;
	p4 =	slt.s32 s1, s29  }
0x1b1: {  	p2 =	por !p2, !p2;
	s4 =	sadd.s32 s1, s4;
	s5 =	spop (v2sf)  }
0x1b2: {  	p5 =	sge.s32 s4, s29;
	s28 =	smov.u32 @p2 s17;
	s5 =	sadd.s32 s4, s5  }
0x1b3: {  	p6 =	slt.s32 s4, s29;
	p3 =	por !p4, !p5;
	p5 =	sge.s32 s5, s29  }
0x1b4: {  	s26 =	smov.u32 @p2 s18;
	p3 =	por !p3, !p3;
	p4 =	por !p6, !p5  }
0x1b5: {  	s28 =	smov.u32 @p3 s2;
	p2 =	por !p4, !p4;
	s19 =	spop (v2sf)  }
0x1b6: {  	s28 =	smov.u32 @p2 s0;
	s0 =	sadd.s32 s5, s19  }
0x1b7: {  	p5 =	slt.s32 s5, s29;
	p6 =	sge.s32 s0, s29;
	s20 =	spop (v2sf)  }
0x1b8: {  	s26 =	smov.u32 @p3 s1;
	p3 =	por !p5, !p6;
	s1 =	sadd.s32 s0, s20  }
0x1b9: {  	p5 =	slt.s32 s0, s29;
	p3 =	por !p3, !p3;
	p6 =	sge.s32 s1, s29  }
0x1ba: {  	s26 =	smov.u32 @p2 s4;
	s28 =	smov.u32 @p3 s31;
	p6 =	por !p5, !p6  }
0x1bb: {  	s26 =	smov.u32 @p3 s5;
	s1 =	simm.s32 $0x0;
	p2 =	por !p6, !p6  }
0x1bc: {  	s28 =	smov.u32 @p2 s30;
	s26 =	smov.u32 @p2 s0;
	s0 =	simm.s32 $0x40  }
.LBB2_32:
0x1bd: {  	p2 =	seq.s32 s0, $0x3FC0;
	[tilespmem:s1+$0x18000] =	vst v2;
	s1 =	smov.u32 s0;
	s0 =	sadd.s32 $0x40, s0  }
.Ltmp18:
0x1be: {  	(pc) =	sbr.rel @!p2 .LBB2_32-.Ltmp18, $2  }
0x1bf: {  	_ =	sdelay $0x2  }
0x1c0: {  	s1 =	sshra.s32 s1, $0x2  }
.Ltmp19:
0x1c1: {  	(pc) =	sbr.rel @p1 .LBB2_40-.Ltmp19, $3  }
0x1c2: {  	_ =	sdelay $0x1  }
0x1c3: {  	s0 =	sshll.u32 s28, $0x8  }
0x1c4: {  	[tilespmem:s1+$0x18000] =	vst v2;
	s24 =	sor.u32 s24, s0  }
.Ltmp20:
0x1c5: {  	(pc) =	sbr.rel @!p0 .LBB2_35-.Ltmp20, $3  }
0x1c6: {  	_ =	sdelay $0x1  }
0x1c7: {  	s0 =	simm.s32 $0x0  }
0x1c8: {  	v6 =	vmov s24;
	s1 =	sadd.s32 $0xFFFFFFFF, s23;
	p2 =	por $0x0, $0x0;
	v7 =	vld [tilespmem:s0+$0x0]  }
0x1c9: {  	_ =	sdelay $0x3  }
0x1ca: {  	v8 =	vor.u32 s0, v1;
	v9 =	vand.u32 $0xFFFFFF00, v7  }
0x1cb: {  	vm0 =	vlt.s32 v8, v5;
	v7 =	vshll.u32 v7, $0x4;
	vm1 =	veq.s32 v9, v6  }
0x1cc: {  	v7 =	vor.u32 v1, v7;
	vm0 =	vmand vm0, vm1  }
0x1cd: {  	v7 =	vand.u32 $0xFFF, v7  }
0x1ce: {  	p3 =	sne.s32 s1, $0x1  }
.Ltmp21:
0x1cf: {  	_ = 	snop;
	(pc) =	sbr.rel @!p3 .LBB2_37-.Ltmp21, $3  }
0x1d0: {  	_ =	sdelay $0x1  }
0x1d1: {  	s2 =	simm.s32 $0x10;
	[tilespmem:v7+s13+$0x0] =	vst.idx.add.s32.msk vm0, v4  }
0x1d2: {  	s4 =	sadd.s32 $0xFFFFFFFF, s1;
	p2 =	por $0x1, $0x1;
	s1 =	simm.s32 $0x0;
	v7 =	vld [tilespmem:s2+$0x0]  }
.LBB2_38:
0x1d3: {  	p3 =	sne.s32 s4, $0x1;
	_ =	sdelay $0x2  }
0x1d4: {  	s1 =	sadd.s32 $0x10, s1  }
0x1d5: {  	v8 =	vor.u32 s1, v1;
	v9 =	vand.u32 $0xFFFFFF00, v7  }
0x1d6: {  	vm0 =	vlt.s32 v8, v5;
	v7 =	vshll.u32 v7, $0x4;
	vm1 =	veq.s32 v9, v6  }
0x1d7: {  	v7 =	vor.u32 v1, v7;
	vm0 =	vmand vm0, vm1  }
0x1d8: {  	v7 =	vand.u32 $0xFFF, v7;
	_ =	sdelay $0x1  }
.Ltmp22:
0x1d9: {  	(pc) =	sbr.rel @p3 .LBB2_38-.Ltmp22, $3  }
0x1da: {  	_ =	sdelay $0x1  }
0x1db: {  	s2 =	sadd.s32 $0x10, s2;
	[tilespmem:v7+s13+$0x0] =	vst.idx.add.s32.msk vm0, v4  }
0x1dc: {  	s4 =	sadd.s32 $0xFFFFFFFF, s4;
	v7 =	vld [tilespmem:s2+$0x0]  }
.LBB2_39:
0x1dd: {  	_ =	sdelay $0x1  }
0x1de: {  	s1 =	sadd.s32 @p2 $0x10, s1  }
0x1df: {  	s0 =	smov.u32 @p2 s1  }
0x1e0: {  	v8 =	vor.u32 s0, v1;
	v9 =	vand.u32 $0xFFFFFF00, v7  }
0x1e1: {  	vm0 =	vlt.s32 v8, v5;
	vm1 =	veq.s32 v9, v6;
	v6 =	vshll.u32 v7, $0x4  }
0x1e2: {  	vm0 =	vmand vm0, vm1;
	v6 =	vor.u32 v1, v6  }
0x1e3: {  	v6 =	vand.u32 $0xFFF, v6;
	_ =	sdelay $0x4  }
0x1e4: {  	[tilespmem:v6+s13+$0x0] =	vst.idx.add.s32.msk vm0, v4  }
.LBB2_40:
0x1e5: {  	s0 =	simm.s32 $0x18FF0  }
0x1e6: {  	v6 =	vld [tilespmem:s0+$0x0];
	_ =	sdelay $0x4  }
0x1e7: {  	(xrf0) =	vadd.scan.msk.s32 $0xffff, v6;
	_ =	sdelay $0x5  }
0x1e8: {  	v6, _, _ =	vpop (xrf0)  }
0x1e9: {  	(v2sf) =	vpush v6, $0xF;
	_ =	sdelay $0x1  }
0x1ea: {  	s17 =	simm.s32 $0x18FE0  }
0x1eb: {  	v6 =	vld [tilespmem:s17+$0x0]  }
0x1ec: {  	s18 =	simm.s32 $0x18FD0  }
0x1ed: {  	v7 =	vld [tilespmem:s18+$0x0];
	_ =	sdelay $0x2  }
0x1ee: {  	(xrf0) =	vadd.scan.msk.s32 $0xffff, v6;
	_ =	sdelay $0x1  }
0x1ef: {  	(xrf0) =	vadd.scan.msk.s32 $0xffff, v7;
	_ =	sdelay $0x2  }
0x1f0: {  	s19 =	simm.s32 $0x18FC0  }
0x1f1: {  	v8 =	vld [tilespmem:s19+$0x0];
	v7, _, _ =	vpop (xrf0)  }
0x1f2: {  	s1 =	spop (v2sf);
	(v2sf) =	vpush v7, $0xF  }
0x1f3: {  	v7, _, _ =	vpop (xrf0)  }
0x1f4: {  	(v2sf) =	vpush v7, $0xF;
	_ =	sdelay $0x1  }
0x1f5: {  	s20 =	simm.s32 $0x18FB0;
	(xrf0) =	vadd.scan.msk.s32 $0xffff, v8  }
0x1f6: {  	v6 =	vld [tilespmem:s20+$0x0]  }
0x1f7: {  	s25 =	sadd.s32 s25, s26;
	s26 =	simm.s32 $0x0;
	s2 =	simm.s32 $0xFE  }
0x1f8: {  	s30 =	simm.s32 $0xFC;
	s29 =	simm.s32 $0xFB;
	s4 =	simm.s32 $0x18FA0  }
0x1f9: {  	s31 =	simm.s32 $0x0;
	s28 =	ssub.s32 $0x80, s25;
	s0 =	simm.s32 $0xFD  }
0x1fa: {  	s18 =	simm.s32 $0x0;
	p3 =	sgt.s32 s28, $0x0;
	s1 =	sadd.s32 $0x0, s1  }
0x1fb: {  	s17 =	simm.s32 $0xFF;
	s20 =	simm.s32 $0xFA;
	(xrf0) =	vadd.scan.msk.s32 $0xffff, v6;
	v6, _, _ =	vpop (xrf0);
	p4 =	sge.s32 s1, s28  }
.LBB2_41:
0x1fc: {  	p2 =	sne.s32 s20, $0x0;
	p3 =	por !p3, !p4;
	s5 =	smov.u32 s20  }
0x1fd: {  	v7 =	vld [tilespmem:s4+$0x0];
	(v2sf) =	vpush v6, $0xF;
	s20 =	sadd.s32 $0xFFFFFFFF, s20;
	s19 =	smov.u32 s18;
	s18 =	smov.u32 s1  }
.Ltmp23:
0x1fe: {  	p3 =	por !p3, !p3;
	(pc) =	sbr.rel @p2 .LBB2_41-.Ltmp23, $4  }
0x1ff: {  	s26 =	smov.u32 @p3 s17;
	s31 =	smov.u32 @p3 s19;
	s17 =	smov.u32 s2  }
0x200: {  	s2 =	smov.u32 s0;
	s0 =	smov.u32 s30;
	s19 =	spop (v2sf)  }
0x201: {  	s30 =	smov.u32 s29;
	s29 =	smov.u32 s5;
	s1 =	sadd.s32 s1, s19  }
0x202: {  	s4 =	sadd.s32 $0xFFFFFFF0, s4;
	p3 =	slt.s32 s18, s28;
	(xrf0) =	vadd.scan.msk.s32 $0xffff, v7;
	v6, _, _ =	vpop (xrf0);
	p4 =	sge.s32 s1, s28  }
0x203: {  	_ =	sdelay $0x4  }
0x204: {  	(v2sf) =	vpush v6, $0xF;
	v6, _, _ =	vpop (xrf0)  }
0x205: {  	(v2sf) =	vpush v6, $0xF;
	_ =	sdelay $0x7  }
0x206: {  	s4 =	spop (v2sf);
	p2 =	por !p3, !p4  }
0x207: {  	p4 =	slt.s32 s1, s28;
	p2 =	por !p2, !p2;
	s4 =	sadd.s32 s1, s4  }
0x208: {  	p5 =	sge.s32 s4, s28;
	s26 =	smov.u32 @p2 s17;
	s5 =	spop (v2sf)  }
0x209: {  	p6 =	slt.s32 s4, s28;
	p3 =	por !p4, !p5;
	s5 =	sadd.s32 s4, s5  }
0x20a: {  	s31 =	smov.u32 @p2 s18;
	p3 =	por !p3, !p3;
	p5 =	sge.s32 s5, s28  }
0x20b: {  	s26 =	smov.u32 @p3 s2;
	s31 =	smov.u32 @p3 s1;
	p4 =	por !p6, !p5  }
0x20c: {  	p5 =	slt.s32 s5, s28;
	p2 =	por !p4, !p4;
	s19 =	spop (v2sf)  }
0x20d: {  	s26 =	smov.u32 @p2 s0;
	s0 =	sadd.s32 s5, s19;
	s20 =	spop (v2sf)  }
.Ltmp24:
0x20e: {  	p6 =	sge.s32 s0, s28;
	s1 =	sadd.s32 s0, s20;
	(pc) =	sbr.rel @p1 .LBB2_48-.Ltmp24, $4  }
0x20f: {  	p3 =	por !p5, !p6;
	p5 =	slt.s32 s0, s28;
	p6 =	sge.s32 s1, s28  }
0x210: {  	s31 =	smov.u32 @p2 s4;
	p3 =	por !p3, !p3;
	p6 =	por !p5, !p6  }
0x211: {  	s26 =	smov.u32 @p3 s30;
	s31 =	smov.u32 @p3 s5;
	p2 =	por !p6, !p6  }
0x212: {  	s26 =	smov.u32 @p2 s29;
	s31 =	smov.u32 @p2 s0  }
.Ltmp25:
0x213: {  	(pc) =	sbr.rel @!p0 .LBB2_47-.Ltmp25, $4  }
0x214: {  	s25 =	sadd.s32 s25, s31;
	s1 =	sor.u32 s24, s26  }
0x215: {  	s26 =	simm.s32 $0x0;
	s24 =	simm.s32 $0x8000;
	s0 =	sadd.s32 $0xFFFFFFFF, s23  }
0x216: {  	p1 =	por $0x0, $0x0;
	s31 =	simm.s32 $0x0;
	s30 =	simm.s32 $0x0  }
0x217: {  	s28 =	smov.u32 s22;
	s23 =	simm.s32 $0x8000;
	v6 =	vmov s1;
	s29 =	smov.u32 s25  }
0x218: {  	v7 =	vld [tilespmem:s26+$0x0];
	_ =	sdelay $0x3  }
0x219: {  	v8 =	vor.u32 s26, v1  }
0x21a: {  	vm0 =	vlt.s32 v8, v5;
	vm1 =	vgt.s32 v7, v6  }
0x21b: {  	vm2 =	veq.s32 v7, v6;
	vm1 =	vmand vm0, vm1  }
0x21c: {  	vm2 =	vmand vm0, vm2;
	v7 =	vsel vm1, $0x1, v2  }
0x21d: {  	v8 =	vsel vm2, $0x1, v2;
	(xrf0) =	vadd.scan.msk.s32 $0xffff, v7  }
0x21e: {  	(xrf0) =	vadd.scan.msk.s32 $0xffff, v8;
	_ =	sdelay $0x1  }
0x21f: {  	v7 =	vmov s22  }
0x220: {  	v8 =	vmov s25;
	v7 =	vadd.s32 $0xFFFFFFFF, v7  }
0x221: {  	p0 =	sne.s32 s0, $0x1;
	v8 =	vadd.s32 $0xFFFFFFFF, v8;
	v7 =	vbroadcast v7, $0x0  }
.Ltmp26:
0x222: {  	v8 =	vbroadcast v8, $0x0;
	v9, _, _ =	vpop (xrf0);
	(pc) =	sbr.rel @!p0 .LBB2_45-.Ltmp26, $4  }
0x223: {  	v10, _, _ =	vpop (xrf0);
	v7 =	vadd.s32 v9, v7;
	(v2sf) =	vpush v9, $0xF  }
0x224: {  	s0 =	sadd.s32 $0xFFFFFFFF, s0;
	v8 =	vadd.s32 v10, v8;
	vm0 =	vlt.s32 v7, $0x80;
	(v2sf) =	vpush v10, $0xF  }
0x225: {  	p1 =	por $0x1, $0x1;
	s31 =	simm.s32 $0x0;
	s30 =	simm.s32 $0x0;
	vm3 =	vlt.s32 v8, $0x80;
	vm0 =	vmand vm1, vm0  }
0x226: {  	s28 =	smov.u32 s22;
	s29 =	smov.u32 s25;
	s23 =	simm.s32 $0x8000;
	v9 =	vld [tilespmem:s24+$0x0];
	vm1 =	vmand vm2, vm3  }
.LBB2_46:
0x227: {  	p0 =	sne.s32 s0, $0x1;
	_ =	sdelay $0x3  }
0x228: {  	[tilespmem:v7+s14+$0x0] =	vst.idx.msk vm0, v9  }
0x229: {  	s31 =	sadd.s32 $0x10, s31;
	[tilespmem:v8+s14+$0x0] =	vst.idx.msk vm1, v9  }
0x22a: {  	v7 =	vld [tilespmem:s31+$0x0];
	_ =	sdelay $0x2  }
0x22b: {  	s30 =	sadd.s32 $0x10, s30  }
0x22c: {  	v8 =	vor.u32 s30, v1  }
0x22d: {  	vm1 =	vlt.s32 v8, v5;
	vm0 =	vgt.s32 v7, v6;
	s1 =	spop (v2sf)  }
0x22e: {  	vm2 =	veq.s32 v7, v6;
	vm0 =	vmand vm1, vm0;
	s28 =	sadd.s32 s28, s1;
	s1 =	spop (v2sf)  }
0x22f: {  	vm1 =	vmand vm1, vm2;
	v7 =	vsel vm0, $0x1, v2;
	s29 =	sadd.s32 s29, s1  }
0x230: {  	v8 =	vsel vm1, $0x1, v2;
	(xrf0) =	vadd.scan.msk.s32 $0xffff, v7  }
0x231: {  	(xrf0) =	vadd.scan.msk.s32 $0xffff, v8;
	_ =	sdelay $0x1  }
0x232: {  	v7 =	vmov s28  }
0x233: {  	v7 =	vadd.s32 $0xFFFFFFFF, v7;
	v8 =	vmov s29  }
0x234: {  	v7 =	vbroadcast v7, $0x0;
	v8 =	vadd.s32 $0xFFFFFFFF, v8  }
.Ltmp27:
0x235: {  	v8 =	vbroadcast v8, $0x0;
	v9, _, _ =	vpop (xrf0);
	(pc) =	sbr.rel @p0 .LBB2_46-.Ltmp27, $4  }
0x236: {  	v7 =	vadd.s32 v9, v7;
	v10, _, _ =	vpop (xrf0);
	(v2sf) =	vpush v9, $0xF  }
0x237: {  	vm2 =	vlt.s32 v7, $0x80;
	v8 =	vadd.s32 v10, v8;
	(v2sf) =	vpush v10, $0xF  }
0x238: {  	s23 =	sadd.s32 $0x10, s23;
	vm0 =	vmand vm0, vm2;
	vm2 =	vlt.s32 v8, $0x80  }
0x239: {  	s0 =	sadd.s32 $0xFFFFFFFF, s0;
	v9 =	vld [tilespmem:s23+$0x0];
	vm1 =	vmand vm1, vm2  }
.Ltmp28:
0x23a: {  	_ = 	snop;
	(pc) =	sbr.rel .LBB2_47-.Ltmp28, $1  }
0x23b: {  	_ =	sdelay $0x3  }
.LBB2_13:
.Ltmp29:
0x23c: {  	(pc) =	sbr.rel .LBB2_17-.Ltmp29, $2  }
0x23d: {  	_ =	sdelay $0x2  }
0x23e: {  	s1 =	simm.s32 $0x0  }
.LBB2_24:
.Ltmp30:
0x23f: {  	(pc) =	sbr.rel .LBB2_28-.Ltmp30, $2  }
0x240: {  	_ =	sdelay $0x2  }
0x241: {  	s1 =	simm.s32 $0x0  }
.LBB2_35:
.Ltmp31:
0x242: {  	(pc) =	sbr.rel .LBB2_39-.Ltmp31, $2  }
0x243: {  	_ =	sdelay $0x2  }
0x244: {  	s1 =	simm.s32 $0x0  }
.LBB2_15:
.Ltmp32:
0x245: {  	(pc) =	sbr.rel .LBB2_17-.Ltmp32, $2  }
0x246: {  	_ =	sdelay $0x2  }
0x247: {  	s1 =	simm.s32 $0x0  }
.LBB2_26:
.Ltmp33:
0x248: {  	(pc) =	sbr.rel .LBB2_28-.Ltmp33, $2  }
0x249: {  	_ =	sdelay $0x2  }
0x24a: {  	s1 =	simm.s32 $0x0  }
.LBB2_37:
.Ltmp34:
0x24b: {  	(pc) =	sbr.rel .LBB2_39-.Ltmp34, $2  }
0x24c: {  	_ =	sdelay $0x2  }
0x24d: {  	s1 =	simm.s32 $0x0  }
.LBB2_49:
0x24e: {  	_ =	sfence.sel $0x180000  }
0x24f: {  	[bflag:$0x0] =	sbarrier.arrive $0xFFFF  }
0x250: {  	_ =	strace $0x90000047  }
0x251: {  	s0 =	stileid.u32;
	[bflag:$0x2] =	sbarrier.arrive $0xFFFF  }
0x252: {  	p0 =	sne.s32 s0, $0x0;
	s0 =	rddreg [dreg:$0x3]  }
0x253: {  	s0 =	sadd.s32 @!p0 $0x100000, s0  }
0x254: {  	[sflag:s0] =	ssyncadd.tile.s32 @!p0 $0x1;
	_ =	shalt  }
.Lfunc_end2:
_tile_overlayer_lowered:
.L_overlay_start_2:
0x255: {  	(tag) =	ssettag $0x2  }
0x256: {  	s0 =	rddreg [dreg:$0x0];
	s2 =	stileid.u32  }
0x257: {  	s1 =	rddreg [dreg:$0x1];
	p0 =	sne.s32 s2, $0x0  }
0x258: {  	s3 =	rddreg [dreg:$0x2];
	[bflag:$0x3] =	sbarrier.arrive $0xFFFF;
	s2 =	simm.s32 @!p0 $0x1C02  }
0x259: {  	[timem:s3], [sflag:s2] =	dma.local @!p0 [hbm:s0], s1  }
0x25a: {  	s0 =	simm.s32 @!p0 $0x2  }
0x25b: {  	_ =	swait.ge @!p0 [sflag:s0], s1  }
0x25c: {  	s1 =	ssub.s32 @!p0 $0x0, s1;
	[sflag:s0] =	ssyncset.done @!p0 $0x0  }
0x25d: {  	[sflag:s0] =	ssyncadd.s32 @!p0 s1  }
0x25e: {  	[bflag:$0x3] =	sbarrier.arrive $0xFFFF  }
0x25f: {  	_ =	shalt  }

</sc_bundles>
